<compile_context>
chip_gen: v7x
topology: tpu7x:2x2x1
jax: 0.10.2.dev20260603
libtpu: 0.0.44.dev20260713+nightly
codegen_flags: <defaults>
</compile_context>

<pallas_src>
import functools

import jax
import jax.numpy as jnp
from jax import lax
from jax.experimental import pallas as pl
from jax.experimental.pallas import tpu as pltpu
from jax.experimental.pallas import tpu_sc as plsc

_N_NODES = 10000
_N_EDGES = 320000
_D = 128
_N_GRAPHS = 8

_NC = 2
_NS = 16
_E_CHUNK = 128
_ROWS_PT = 624
_ZCH = 104
_NB = 3


def _sc_edge_aggregate(x, edge_index):
    n_tiles = _NC * _NS
    n_chunks = 78
    edges_per_tile = n_chunks * _E_CHUNK
    extra0 = n_tiles * edges_per_tile
    tail0 = _NS * _ROWS_PT
    tail_rows = _N_NODES - tail0

    mesh = plsc.VectorSubcoreMesh(core_axis_name="c", subcore_axis_name="s")

    @functools.partial(
        pl.kernel,
        mesh=mesh,
        out_type=jax.ShapeDtypeStruct((_NC, _N_NODES, _D), jnp.float32),
        scratch_types=(
            [pltpu.VMEM((_E_CHUNK,), jnp.int32) for _ in range(_NB)]
            + [pltpu.VMEM((1, _E_CHUNK), jnp.int32) for _ in range(_NB)]
            + [pltpu.VMEM((_E_CHUNK, _D), jnp.float32) for _ in range(_NB)]
            + [pltpu.VMEM_SHARED((_N_NODES, _D), jnp.float32)]
            + [pltpu.SemaphoreType.DMA for _ in range(4 * _NB)]
        ),
    )
    def k(x_hbm, ei_hbm, out_hbm, *bufs):
        src_v = bufs[0:_NB]
        dst_v = bufs[_NB:2 * _NB]
        rows_v = bufs[2 * _NB:3 * _NB]
        agg_sh = bufs[3 * _NB]
        sems = bufs[3 * _NB + 1:]
        gsem = sems[0:_NB]
        ssem = sems[_NB:2 * _NB]
        dsem = sems[2 * _NB:3 * _NB]
        asem = sems[3 * _NB:4 * _NB]

        c = lax.axis_index("c")
        s = lax.axis_index("s")
        row0 = s * _ROWS_PT
        is_last = s == _NS - 1

        base_e = (c * _NS + s) * edges_per_tile

        def e0(j):
            return base_e + j * _E_CHUNK

        def issue_src(j, r):
            pltpu.async_copy(ei_hbm.at[0, pl.ds(e0(j), _E_CHUNK)],
                             src_v[r], ssem[r])

        def issue_dst(j, r):
            pltpu.async_copy(ei_hbm.at[1, pl.ds(e0(j), _E_CHUNK)],
                             dst_v[r].at[0], dsem[r])

        def issue_gather(r):
            pltpu.async_copy(x_hbm.at[src_v[r]], rows_v[r], gsem[r])

        def issue_scat(r):
            pltpu.async_copy(rows_v[r], agg_sh.at[dst_v[r].at[0]],
                             asem[r], add=True)

        def wait_gather(r):
            pltpu.make_async_copy(x_hbm.at[pl.ds(0, _E_CHUNK)], rows_v[r],
                                  gsem[r]).wait()

        def wait_src(r):
            pltpu.make_async_copy(ei_hbm.at[0, pl.ds(0, _E_CHUNK)], src_v[r],
                                  ssem[r]).wait()

        def wait_dst(r):
            pltpu.make_async_copy(ei_hbm.at[1, pl.ds(0, _E_CHUNK)],
                                  dst_v[r].at[0], dsem[r]).wait()

        def wait_scat(r):
            pltpu.make_async_copy(rows_v[r], agg_sh.at[dst_v[r].at[0]],
                                  asem[r]).wait()

        pltpu.sync_copy(ei_hbm.at[0, pl.ds(e0(0), _E_CHUNK)], src_v[0])
        issue_gather(0)
        issue_src(1, 1)
        issue_src(2, 2)
        issue_dst(0, 0)
        issue_dst(1, 1)
        wait_src(1)
        issue_gather(1)

        def zero_row(i, carry):
            for j in range(_D // 16):
                rows_v[2][i, pl.ds(j * 16, 16)] = jnp.zeros((16,), jnp.float32)
            return carry

        lax.fori_loop(0, _ZCH, zero_row, 0)
        for z in range(_ROWS_PT // _ZCH):
            pltpu.sync_copy(rows_v[2].at[pl.ds(0, _ZCH)],
                            agg_sh.at[pl.ds(row0 + z * _ZCH, _ZCH)])

        @pl.when(is_last)
        def _():
            pltpu.sync_copy(rows_v[2].at[pl.ds(0, tail_rows)],
                            agg_sh.at[pl.ds(tail0, tail_rows)])

        plsc.subcore_barrier()

        def step(j, r, first=False, issue2=True, issue3=True):
            r2 = (r + 2) % _NB
            if not first:
                wait_scat(r2)
            if issue2:
                wait_src(r2)
                issue_gather(r2)
                issue_dst(j + 2, r2)
            wait_gather(r)
            wait_dst(r)
            issue_scat(r)
            if issue3:
                issue_src(j + 3, r)

        step(0, 0, first=True)
        step(1, 1)
        step(2, 2)

        def triple(t, carry):
            j = t * 3 + 3
            step(j, 0)
            step(j + 1, 1)
            step(j + 2, 2)
            return carry

        lax.fori_loop(0, 24, triple, 0)
        step(75, 0, issue3=False)
        step(76, 1, issue2=False, issue3=False)
        step(77, 2, issue2=False, issue3=False)
        wait_scat(2)

        @pl.when(s < 2)
        def _():
            ex = extra0 + (c * 2 + s) * _E_CHUNK
            pltpu.sync_copy(ei_hbm.at[0, pl.ds(ex, _E_CHUNK)], src_v[0])
            pltpu.sync_copy(ei_hbm.at[1, pl.ds(ex, _E_CHUNK)], dst_v[0].at[0])
            pltpu.async_copy(x_hbm.at[src_v[0]], rows_v[0], gsem[0]).wait()
            pltpu.sync_copy(rows_v[0], agg_sh.at[dst_v[0].at[0]], add=True)

        plsc.subcore_barrier()

        for z in range(_ROWS_PT // _ZCH):
            r = row0 + z * _ZCH
            pltpu.async_copy(agg_sh.at[pl.ds(r, _ZCH)],
                             out_hbm.at[c, pl.ds(r, _ZCH)], gsem[0])

        @pl.when(is_last)
        def _():
            pltpu.sync_copy(agg_sh.at[pl.ds(tail0, tail_rows)],
                            out_hbm.at[c, pl.ds(tail0, tail_rows)])

        for z in range(_ROWS_PT // _ZCH):
            pltpu.make_async_copy(agg_sh.at[pl.ds(row0 + z * _ZCH, _ZCH)],
                                  out_hbm.at[c, pl.ds(row0 + z * _ZCH, _ZCH)],
                                  gsem[0]).wait()

    return k(x, edge_index)


def _tc_dense(agg2, x, w, batch2d):

    def body(agg_ref, x_ref, w_ref, b_ref, out_ref):
        a = agg_ref[0] + agg_ref[1] + x_ref[...]
        h = jnp.maximum(
            jnp.dot(a, w_ref[...], preferred_element_type=jnp.float32), 0.0)
        gids = lax.broadcasted_iota(jnp.int32, (1, _N_GRAPHS), 1)
        oh = (b_ref[...].reshape(_N_NODES, 1) == gids).astype(jnp.float32)
        sums = lax.dot_general(oh, h, (((0,), (0,)), ((), ())),
                               preferred_element_type=jnp.float32)
        counts = jnp.sum(oh, axis=0)[:, None]
        gmean = sums / jnp.maximum(counts, 1.0)
        out_ref[...] = h + jnp.dot(oh, gmean,
                                   preferred_element_type=jnp.float32)

    return pl.pallas_call(
        body,
        out_shape=jax.ShapeDtypeStruct((_N_NODES, _D), jnp.float32),
    )(agg2, x, w, batch2d)


def kernel(x, edge_index, batch, W):
    agg2 = _sc_edge_aggregate(x, edge_index.astype(jnp.int32))
    return _tc_dense(agg2, x, W, batch.astype(jnp.int32))

# --- scband reference (transcript-rebuilt; emitter-appended) ---
"""Pipeline reference for scband-general-gnn-73323681677676 (READ-ONLY COPY).

The authoritative reference and input builder live on the scoring server;
editing this copy changes nothing except your own understanding.
"""

import jax, jax.numpy as jnp
import numpy as np

N_NODES = 10000
N_EDGES = 320000
D_FEAT = 128
N_GRAPHS = 8


def setup_inputs(seed: int = 0) -> dict:
    key = jax.random.key(seed)
    k1, k2, k3, k4 = jax.random.split(key, 4)
    x = jax.random.normal(k1, (N_NODES, D_FEAT), dtype=jnp.float32)
    edge_index = jax.random.randint(k2, (2, N_EDGES), 0, N_NODES, dtype=jnp.int64)
    batch = jnp.sort(jax.random.randint(k3, (N_NODES,), 0, N_GRAPHS, dtype=jnp.int32))
    W = jax.random.normal(k4, (D_FEAT, D_FEAT), dtype=jnp.float32) * 0.05
    return {"x": x, "edge_index": edge_index, "batch": batch, "W": W}


def reference(x, edge_index, batch, W):
    # GNN message passing on the pre-built batched graph (build_gnn_input output):
    # messages flow along both edge directions (edges were added symmetrically).
    src = edge_index[0]
    dst = edge_index[1]
    # gather source node features and transform (GraphConv-style nn)
    msgs = jnp.take(x, src, axis=0) @ W
    # scatter-add aggregation to destination nodes
    agg = jax.ops.segment_sum(msgs, dst, num_segments=x.shape[0])
    # self contribution + nonlinearity
    h = jax.nn.relu(agg + x @ W)
    # global pooling per graph (global mean pool over batch vector)
    sums = jax.ops.segment_sum(h, batch, num_segments=N_GRAPHS)
    counts = jax.ops.segment_sum(jnp.ones((h.shape[0], 1), dtype=h.dtype), batch, num_segments=N_GRAPHS)
    gmean = sums / jnp.maximum(counts, 1.0)
    # splitted = [localf + globalf.unsqueeze(0) ...] -> broadcast global feature back to nodes
    out = h + jnp.take(gmean, batch, axis=0)
    return out

if __name__ == "__main__":
    import jax
    _d = setup_inputs()
    print(jax.jit(kernel)(*tuple(_d.values())))

</pallas_src>

<mosaic_0001>
#map = affine_map<(d0, d1) -> (0, 0)>
#map1 = affine_map<(d0, d1) -> (0, 0, 0)>
module attributes {stable_mosaic.version = 14 : i64} {
  func.func @k(%arg0: i32, %arg1: i32, %arg2: memref<10000x128xf32, #tpu.memory_space<hbm>>, %arg3: memref<2x320000xi32, #tpu.memory_space<hbm>>, %arg4: memref<2x10000x128xf32, #tpu.memory_space<hbm>>, %arg5: memref<128xi32, #tpu.memory_space<vmem>>, %arg6: memref<128xi32, #tpu.memory_space<vmem>>, %arg7: memref<128xi32, #tpu.memory_space<vmem>>, %arg8: memref<1x128xi32, #tpu.memory_space<vmem>>, %arg9: memref<1x128xi32, #tpu.memory_space<vmem>>, %arg10: memref<1x128xi32, #tpu.memory_space<vmem>>, %arg11: memref<128x128xf32, #tpu.memory_space<vmem>>, %arg12: memref<128x128xf32, #tpu.memory_space<vmem>>, %arg13: memref<128x128xf32, #tpu.memory_space<vmem>>, %arg14: memref<10000x128xf32, #tpu.memory_space<vmem_shared>>, %arg15: memref<!tpu.dma_semaphore, #tpu.memory_space<semaphore_mem>>, %arg16: memref<!tpu.dma_semaphore, #tpu.memory_space<semaphore_mem>>, %arg17: memref<!tpu.dma_semaphore, #tpu.memory_space<semaphore_mem>>, %arg18: memref<!tpu.dma_semaphore, #tpu.memory_space<semaphore_mem>>, %arg19: memref<!tpu.dma_semaphore, #tpu.memory_space<semaphore_mem>>, %arg20: memref<!tpu.dma_semaphore, #tpu.memory_space<semaphore_mem>>, %arg21: memref<!tpu.dma_semaphore, #tpu.memory_space<semaphore_mem>>, %arg22: memref<!tpu.dma_semaphore, #tpu.memory_space<semaphore_mem>>, %arg23: memref<!tpu.dma_semaphore, #tpu.memory_space<semaphore_mem>>, %arg24: memref<!tpu.dma_semaphore, #tpu.memory_space<semaphore_mem>>, %arg25: memref<!tpu.dma_semaphore, #tpu.memory_space<semaphore_mem>>, %arg26: memref<!tpu.dma_semaphore, #tpu.memory_space<semaphore_mem>>) attributes {dimension_semantics = [#tpu.dimension_semantics<core_parallel>, #tpu.dimension_semantics<subcore_parallel>], iteration_bounds = array<i64: 2, 16>, scalar_prefetch = 0 : i64, scratch_operands = 22 : i64, tpu.core_type = #tpu.core_type<sc_vector_subcore>, window_params = [{transform_indices = #map}, {transform_indices = #map}, {transform_indices = #map1}]} {
    %mul3A = arith.constant 624 : i32
    %mul3A_0 = arith.muli %arg1, %mul3A : i32
    %eq3A = arith.constant 15 : i32
    %eq3A_1 = arith.cmpi eq, %arg1, %eq3A : i32
    %mul3A_2 = arith.constant 16 : i32
    %mul3A_3 = arith.muli %arg0, %mul3A_2 : i32
    %add3A = arith.addi %mul3A_3, %arg1 : i32
    %mul3A_4 = arith.constant 9984 : i32
    %mul3A_5 = arith.muli %add3A, %mul3A_4 : i32
    %add3A_6 = arith.constant 0 : i32
    %add3A_7 = arith.addi %mul3A_5, %add3A_6 : i32
    %run_scoped3A = arith.constant 0 : i32
    "tpu.region"() ({
      %run_scoped3A_510 = tpu.sem_alloc : memref<!tpu.dma_semaphore, #tpu.memory_space<semaphore_mem>>
      %dma_start3A_511 = tpu.memref_slice %arg3[%run_scoped3A, %add3A_7] : memref<2x320000xi32, #tpu.memory_space<hbm>> -> memref<1x128xi32, #tpu.memory_space<hbm>>
      %dma_start3A_512 = tpu.memref_squeeze %dma_start3A_511 : memref<1x128xi32, #tpu.memory_space<hbm>> -> memref<128xi32, #tpu.memory_space<hbm>>
      %dma_start3A_513 = tpu.memref_slice %arg3[%run_scoped3A, %add3A_7] : memref<2x320000xi32, #tpu.memory_space<hbm>> -> memref<1x128xi32, #tpu.memory_space<hbm>>
      %dma_start3A_514 = tpu.memref_squeeze %dma_start3A_513 : memref<1x128xi32, #tpu.memory_space<hbm>> -> memref<128xi32, #tpu.memory_space<hbm>>
      tpu.enqueue_dma source(%dma_start3A_514 : memref<128xi32, #tpu.memory_space<hbm>>) target(%arg5 : memref<128xi32, #tpu.memory_space<vmem>>) target_semaphore(%run_scoped3A_510 : memref<!tpu.dma_semaphore, #tpu.memory_space<semaphore_mem>>)
      %dma_wait3A_515 = tpu.memref_slice %arg3[%run_scoped3A, %add3A_7] : memref<2x320000xi32, #tpu.memory_space<hbm>> -> memref<1x128xi32, #tpu.memory_space<hbm>>
      %dma_wait3A_516 = tpu.memref_squeeze %dma_wait3A_515 : memref<1x128xi32, #tpu.memory_space<hbm>> -> memref<128xi32, #tpu.memory_space<hbm>>
      %dma_wait3A_517 = tpu.memref_slice %arg3[%run_scoped3A, %add3A_7] : memref<2x320000xi32, #tpu.memory_space<hbm>> -> memref<1x128xi32, #tpu.memory_space<hbm>>
      %dma_wait3A_518 = tpu.memref_squeeze %dma_wait3A_517 : memref<1x128xi32, #tpu.memory_space<hbm>> -> memref<128xi32, #tpu.memory_space<hbm>>
      tpu.wait_dma2 semaphore(%run_scoped3A_510 : memref<!tpu.dma_semaphore, #tpu.memory_space<semaphore_mem>>) src(%dma_wait3A_518 : memref<128xi32, #tpu.memory_space<hbm>>) dst(%arg5 : memref<128xi32, #tpu.memory_space<vmem>>)
      tpu.yield
    }) : () -> ()
    %dma_start3A = arith.constant 0 : i32
    %dma_start3A_8 = arith.constant 0 : i32
    %dma_start3A_9 = tpu.memref_slice %arg2[%dma_start3A, %dma_start3A_8] : memref<10000x128xf32, #tpu.memory_space<hbm>> -> memref<10000x128xf32, #tpu.memory_space<hbm>>
    tpu.enqueue_indirect_dma source(%dma_start3A_9 : memref<10000x128xf32, #tpu.memory_space<hbm>>) target(%arg11 : memref<128x128xf32, #tpu.memory_space<vmem>>) offsets(%arg5 : memref<128xi32, #tpu.memory_space<vmem>>) semaphore(%arg15 : memref<!tpu.dma_semaphore, #tpu.memory_space<semaphore_mem>>)
    %add3A_10 = arith.constant 128 : i32
    %add3A_11 = arith.addi %mul3A_5, %add3A_10 : i32
    %dma_start3A_12 = arith.constant 0 : i32
    %dma_start3A_13 = tpu.memref_slice %arg3[%dma_start3A_12, %add3A_11] : memref<2x320000xi32, #tpu.memory_space<hbm>> -> memref<1x128xi32, #tpu.memory_space<hbm>>
    %dma_start3A_14 = tpu.memref_squeeze %dma_start3A_13 : memref<1x128xi32, #tpu.memory_space<hbm>> -> memref<128xi32, #tpu.memory_space<hbm>>
    %dma_start3A_15 = tpu.memref_slice %arg3[%dma_start3A_12, %add3A_11] : memref<2x320000xi32, #tpu.memory_space<hbm>> -> memref<1x128xi32, #tpu.memory_space<hbm>>
    %dma_start3A_16 = tpu.memref_squeeze %dma_start3A_15 : memref<1x128xi32, #tpu.memory_space<hbm>> -> memref<128xi32, #tpu.memory_space<hbm>>
    tpu.enqueue_dma source(%dma_start3A_16 : memref<128xi32, #tpu.memory_space<hbm>>) target(%arg6 : memref<128xi32, #tpu.memory_space<vmem>>) target_semaphore(%arg19 : memref<!tpu.dma_semaphore, #tpu.memory_space<semaphore_mem>>)
    %add3A_17 = arith.constant 256 : i32
    %add3A_18 = arith.addi %mul3A_5, %add3A_17 : i32
    %dma_start3A_19 = arith.constant 0 : i32
    %dma_start3A_20 = tpu.memref_slice %arg3[%dma_start3A_19, %add3A_18] : memref<2x320000xi32, #tpu.memory_space<hbm>> -> memref<1x128xi32, #tpu.memory_space<hbm>>
    %dma_start3A_21 = tpu.memref_squeeze %dma_start3A_20 : memref<1x128xi32, #tpu.memory_space<hbm>> -> memref<128xi32, #tpu.memory_space<hbm>>
    %dma_start3A_22 = tpu.memref_slice %arg3[%dma_start3A_19, %add3A_18] : memref<2x320000xi32, #tpu.memory_space<hbm>> -> memref<1x128xi32, #tpu.memory_space<hbm>>
    %dma_start3A_23 = tpu.memref_squeeze %dma_start3A_22 : memref<1x128xi32, #tpu.memory_space<hbm>> -> memref<128xi32, #tpu.memory_space<hbm>>
    tpu.enqueue_dma source(%dma_start3A_23 : memref<128xi32, #tpu.memory_space<hbm>>) target(%arg7 : memref<128xi32, #tpu.memory_space<vmem>>) target_semaphore(%arg20 : memref<!tpu.dma_semaphore, #tpu.memory_space<semaphore_mem>>)
    %add3A_24 = arith.constant 0 : i32
    %add3A_25 = arith.addi %mul3A_5, %add3A_24 : i32
    %dma_start3A_26 = arith.constant 1 : i32
    %dma_start3A_27 = arith.constant 0 : i32
    %dma_start3A_28 = arith.constant 0 : i32
    %dma_start3A_29 = tpu.memref_slice %arg8[%dma_start3A_27, %dma_start3A_28] : memref<1x128xi32, #tpu.memory_space<vmem>> -> memref<1x128xi32, #tpu.memory_space<vmem>>
    %dma_start3A_30 = tpu.memref_squeeze %dma_start3A_29 : memref<1x128xi32, #tpu.memory_space<vmem>> -> memref<128xi32, #tpu.memory_space<vmem>>
    %dma_start3A_31 = tpu.memref_slice %arg3[%dma_start3A_26, %add3A_25] : memref<2x320000xi32, #tpu.memory_space<hbm>> -> memref<1x128xi32, #tpu.memory_space<hbm>>
    %dma_start3A_32 = tpu.memref_squeeze %dma_start3A_31 : memref<1x128xi32, #tpu.memory_space<hbm>> -> memref<128xi32, #tpu.memory_space<hbm>>
    %dma_start3A_33 = arith.constant 0 : i32
    %dma_start3A_34 = tpu.memref_slice %arg8[%dma_start3A_27, %dma_start3A_33] : memref<1x128xi32, #tpu.memory_space<vmem>> -> memref<1x128xi32, #tpu.memory_space<vmem>>
    %dma_start3A_35 = tpu.memref_squeeze %dma_start3A_34 : memref<1x128xi32, #tpu.memory_space<vmem>> -> memref<128xi32, #tpu.memory_space<vmem>>
    %dma_start3A_36 = tpu.memref_slice %arg3[%dma_start3A_26, %add3A_25] : memref<2x320000xi32, #tpu.memory_space<hbm>> -> memref<1x128xi32, #tpu.memory_space<hbm>>
    %dma_start3A_37 = tpu.memref_squeeze %dma_start3A_36 : memref<1x128xi32, #tpu.memory_space<hbm>> -> memref<128xi32, #tpu.memory_space<hbm>>
    tpu.enqueue_dma source(%dma_start3A_37 : memref<128xi32, #tpu.memory_space<hbm>>) target(%dma_start3A_35 : memref<128xi32, #tpu.memory_space<vmem>>) target_semaphore(%arg21 : memref<!tpu.dma_semaphore, #tpu.memory_space<semaphore_mem>>)
    %add3A_38 = arith.constant 128 : i32
    %add3A_39 = arith.addi %mul3A_5, %add3A_38 : i32
    %dma_start3A_40 = arith.constant 1 : i32
    %dma_start3A_41 = arith.constant 0 : i32
    %dma_start3A_42 = arith.constant 0 : i32
    %dma_start3A_43 = tpu.memref_slice %arg9[%dma_start3A_41, %dma_start3A_42] : memref<1x128xi32, #tpu.memory_space<vmem>> -> memref<1x128xi32, #tpu.memory_space<vmem>>
    %dma_start3A_44 = tpu.memref_squeeze %dma_start3A_43 : memref<1x128xi32, #tpu.memory_space<vmem>> -> memref<128xi32, #tpu.memory_space<vmem>>
    %dma_start3A_45 = tpu.memref_slice %arg3[%dma_start3A_40, %add3A_39] : memref<2x320000xi32, #tpu.memory_space<hbm>> -> memref<1x128xi32, #tpu.memory_space<hbm>>
    %dma_start3A_46 = tpu.memref_squeeze %dma_start3A_45 : memref<1x128xi32, #tpu.memory_space<hbm>> -> memref<128xi32, #tpu.memory_space<hbm>>
    %dma_start3A_47 = arith.constant 0 : i32
    %dma_start3A_48 = tpu.memref_slice %arg9[%dma_start3A_41, %dma_start3A_47] : memref<1x128xi32, #tpu.memory_space<vmem>> -> memref<1x128xi32, #tpu.memory_space<vmem>>
    %dma_start3A_49 = tpu.memref_squeeze %dma_start3A_48 : memref<1x128xi32, #tpu.memory_space<vmem>> -> memref<128xi32, #tpu.memory_space<vmem>>
    %dma_start3A_50 = tpu.memref_slice %arg3[%dma_start3A_40, %add3A_39] : memref<2x320000xi32, #tpu.memory_space<hbm>> -> memref<1x128xi32, #tpu.memory_space<hbm>>
    %dma_start3A_51 = tpu.memref_squeeze %dma_start3A_50 : memref<1x128xi32, #tpu.memory_space<hbm>> -> memref<128xi32, #tpu.memory_space<hbm>>
    tpu.enqueue_dma source(%dma_start3A_51 : memref<128xi32, #tpu.memory_space<hbm>>) target(%dma_start3A_49 : memref<128xi32, #tpu.memory_space<vmem>>) target_semaphore(%arg22 : memref<!tpu.dma_semaphore, #tpu.memory_space<semaphore_mem>>)
    %dma_wait3A = arith.constant 0 : i32
    %dma_wait3A_52 = arith.constant 0 : i32
    %dma_wait3A_53 = tpu.memref_slice %arg3[%dma_wait3A, %dma_wait3A_52] : memref<2x320000xi32, #tpu.memory_space<hbm>> -> memref<1x128xi32, #tpu.memory_space<hbm>>
    %dma_wait3A_54 = tpu.memref_squeeze %dma_wait3A_53 : memref<1x128xi32, #tpu.memory_space<hbm>> -> memref<128xi32, #tpu.memory_space<hbm>>
    %dma_wait3A_55 = arith.constant 0 : i32
    %dma_wait3A_56 = tpu.memref_slice %arg3[%dma_wait3A, %dma_wait3A_55] : memref<2x320000xi32, #tpu.memory_space<hbm>> -> memref<1x128xi32, #tpu.memory_space<hbm>>
    %dma_wait3A_57 = tpu.memref_squeeze %dma_wait3A_56 : memref<1x128xi32, #tpu.memory_space<hbm>> -> memref<128xi32, #tpu.memory_space<hbm>>
    tpu.wait_dma2 semaphore(%arg19 : memref<!tpu.dma_semaphore, #tpu.memory_space<semaphore_mem>>) src(%dma_wait3A_57 : memref<128xi32, #tpu.memory_space<hbm>>) dst(%arg6 : memref<128xi32, #tpu.memory_space<vmem>>)
    %dma_start3A_58 = arith.constant 0 : i32
    %dma_start3A_59 = arith.constant 0 : i32
    %dma_start3A_60 = tpu.memref_slice %arg2[%dma_start3A_58, %dma_start3A_59] : memref<10000x128xf32, #tpu.memory_space<hbm>> -> memref<10000x128xf32, #tpu.memory_space<hbm>>
    tpu.enqueue_indirect_dma source(%dma_start3A_60 : memref<10000x128xf32, #tpu.memory_space<hbm>>) target(%arg12 : memref<128x128xf32, #tpu.memory_space<vmem>>) offsets(%arg6 : memref<128xi32, #tpu.memory_space<vmem>>) semaphore(%arg16 : memref<!tpu.dma_semaphore, #tpu.memory_space<semaphore_mem>>)
    %scan3A = arith.constant 0 : i32
    %scan3A_61 = arith.constant 0 : i32
    %scan3A_62 = arith.constant 104 : i32
    %scan3A_63 = arith.addi %scan3A_61, %scan3A_62 : i32
    %scan3A_64 = arith.constant 1 : i32
    scf.for %scan3A_510 = %scan3A_61 to %scan3A_63 step %scan3A_64  : i32 {
      %broadcast_in_dim3A = arith.constant 0.000000e+00 : f32
      %broadcast_in_dim3A_511 = vector.broadcast %broadcast_in_dim3A : f32 to vector<16xf32>
      %swap3A = arith.index_cast %scan3A_510 : i32 to index
      %swap3A_512 = arith.constant 0 : index
      %swap3A_513 = tpu.vector_load %arg13[%swap3A, %swap3A_512] {strides = array<i32>} : memref<128x128xf32, #tpu.memory_space<vmem>>, vector<1x16xf32>,
      %swap3A_514 = vector.shape_cast %swap3A_513 : vector<1x16xf32> to vector<16xf32>
      %swap3A_515 = vector.shape_cast %broadcast_in_dim3A_511 : vector<16xf32> to vector<1x16xf32>
      tpu.vector_store %arg13[%swap3A, %swap3A_512], %swap3A_515 {strides = array<i32>} : memref<128x128xf32, #tpu.memory_space<vmem>>, vector<1x16xf32>,
      %broadcast_in_dim3A_516 = arith.constant 0.000000e+00 : f32
      %broadcast_in_dim3A_517 = vector.broadcast %broadcast_in_dim3A_516 : f32 to vector<16xf32>
      %swap3A_518 = arith.index_cast %scan3A_510 : i32 to index
      %swap3A_519 = arith.constant 16 : index
      %swap3A_520 = tpu.vector_load %arg13[%swap3A_518, %swap3A_519] {strides = array<i32>} : memref<128x128xf32, #tpu.memory_space<vmem>>, vector<1x16xf32>,
      %swap3A_521 = vector.shape_cast %swap3A_520 : vector<1x16xf32> to vector<16xf32>
      %swap3A_522 = vector.shape_cast %broadcast_in_dim3A_517 : vector<16xf32> to vector<1x16xf32>
      tpu.vector_store %arg13[%swap3A_518, %swap3A_519], %swap3A_522 {strides = array<i32>} : memref<128x128xf32, #tpu.memory_space<vmem>>, vector<1x16xf32>,
      %broadcast_in_dim3A_523 = arith.constant 0.000000e+00 : f32
      %broadcast_in_dim3A_524 = vector.broadcast %broadcast_in_dim3A_523 : f32 to vector<16xf32>
      %swap3A_525 = arith.index_cast %scan3A_510 : i32 to index
      %swap3A_526 = arith.constant 32 : index
      %swap3A_527 = tpu.vector_load %arg13[%swap3A_525, %swap3A_526] {strides = array<i32>} : memref<128x128xf32, #tpu.memory_space<vmem>>, vector<1x16xf32>,
      %swap3A_528 = vector.shape_cast %swap3A_527 : vector<1x16xf32> to vector<16xf32>
      %swap3A_529 = vector.shape_cast %broadcast_in_dim3A_524 : vector<16xf32> to vector<1x16xf32>
      tpu.vector_store %arg13[%swap3A_525, %swap3A_526], %swap3A_529 {strides = array<i32>} : memref<128x128xf32, #tpu.memory_space<vmem>>, vector<1x16xf32>,
      %broadcast_in_dim3A_530 = arith.constant 0.000000e+00 : f32
      %broadcast_in_dim3A_531 = vector.broadcast %broadcast_in_dim3A_530 : f32 to vector<16xf32>
      %swap3A_532 = arith.index_cast %scan3A_510 : i32 to index
      %swap3A_533 = arith.constant 48 : index
      %swap3A_534 = tpu.vector_load %arg13[%swap3A_532, %swap3A_533] {strides = array<i32>} : memref<128x128xf32, #tpu.memory_space<vmem>>, vector<1x16xf32>,
      %swap3A_535 = vector.shape_cast %swap3A_534 : vector<1x16xf32> to vector<16xf32>
      %swap3A_536 = vector.shape_cast %broadcast_in_dim3A_531 : vector<16xf32> to vector<1x16xf32>
      tpu.vector_store %arg13[%swap3A_532, %swap3A_533], %swap3A_536 {strides = array<i32>} : memref<128x128xf32, #tpu.memory_space<vmem>>, vector<1x16xf32>,
      %broadcast_in_dim3A_537 = arith.constant 0.000000e+00 : f32
      %broadcast_in_dim3A_538 = vector.broadcast %broadcast_in_dim3A_537 : f32 to vector<16xf32>
      %swap3A_539 = arith.index_cast %scan3A_510 : i32 to index
      %swap3A_540 = arith.constant 64 : index
      %swap3A_541 = tpu.vector_load %arg13[%swap3A_539, %swap3A_540] {strides = array<i32>} : memref<128x128xf32, #tpu.memory_space<vmem>>, vector<1x16xf32>,
      %swap3A_542 = vector.shape_cast %swap3A_541 : vector<1x16xf32> to vector<16xf32>
      %swap3A_543 = vector.shape_cast %broadcast_in_dim3A_538 : vector<16xf32> to vector<1x16xf32>
      tpu.vector_store %arg13[%swap3A_539, %swap3A_540], %swap3A_543 {strides = array<i32>} : memref<128x128xf32, #tpu.memory_space<vmem>>, vector<1x16xf32>,
      %broadcast_in_dim3A_544 = arith.constant 0.000000e+00 : f32
      %broadcast_in_dim3A_545 = vector.broadcast %broadcast_in_dim3A_544 : f32 to vector<16xf32>
      %swap3A_546 = arith.index_cast %scan3A_510 : i32 to index
      %swap3A_547 = arith.constant 80 : index
      %swap3A_548 = tpu.vector_load %arg13[%swap3A_546, %swap3A_547] {strides = array<i32>} : memref<128x128xf32, #tpu.memory_space<vmem>>, vector<1x16xf32>,
      %swap3A_549 = vector.shape_cast %swap3A_548 : vector<1x16xf32> to vector<16xf32>
      %swap3A_550 = vector.shape_cast %broadcast_in_dim3A_545 : vector<16xf32> to vector<1x16xf32>
      tpu.vector_store %arg13[%swap3A_546, %swap3A_547], %swap3A_550 {strides = array<i32>} : memref<128x128xf32, #tpu.memory_space<vmem>>, vector<1x16xf32>,
      %broadcast_in_dim3A_551 = arith.constant 0.000000e+00 : f32
      %broadcast_in_dim3A_552 = vector.broadcast %broadcast_in_dim3A_551 : f32 to vector<16xf32>
      %swap3A_553 = arith.index_cast %scan3A_510 : i32 to index
      %swap3A_554 = arith.constant 96 : index
      %swap3A_555 = tpu.vector_load %arg13[%swap3A_553, %swap3A_554] {strides = array<i32>} : memref<128x128xf32, #tpu.memory_space<vmem>>, vector<1x16xf32>,
      %swap3A_556 = vector.shape_cast %swap3A_555 : vector<1x16xf32> to vector<16xf32>
      %swap3A_557 = vector.shape_cast %broadcast_in_dim3A_552 : vector<16xf32> to vector<1x16xf32>
      tpu.vector_store %arg13[%swap3A_553, %swap3A_554], %swap3A_557 {strides = array<i32>} : memref<128x128xf32, #tpu.memory_space<vmem>>, vector<1x16xf32>,
      %broadcast_in_dim3A_558 = arith.constant 0.000000e+00 : f32
      %broadcast_in_dim3A_559 = vector.broadcast %broadcast_in_dim3A_558 : f32 to vector<16xf32>
      %swap3A_560 = arith.index_cast %scan3A_510 : i32 to index
      %swap3A_561 = arith.constant 112 : index
      %swap3A_562 = tpu.vector_load %arg13[%swap3A_560, %swap3A_561] {strides = array<i32>} : memref<128x128xf32, #tpu.memory_space<vmem>>, vector<1x16xf32>,
      %swap3A_563 = vector.shape_cast %swap3A_562 : vector<1x16xf32> to vector<16xf32>
      %swap3A_564 = vector.shape_cast %broadcast_in_dim3A_559 : vector<16xf32> to vector<1x16xf32>
      tpu.vector_store %arg13[%swap3A_560, %swap3A_561], %swap3A_564 {strides = array<i32>} : memref<128x128xf32, #tpu.memory_space<vmem>>, vector<1x16xf32>,
    }
    %scan3A_65 = arith.constant 104 : i32
    %add3A_66 = arith.constant 0 : i32
    %add3A_67 = arith.addi %mul3A_0, %add3A_66 : i32
    "tpu.region"() ({
      %run_scoped3A_510 = tpu.sem_alloc : memref<!tpu.dma_semaphore, #tpu.memory_space<semaphore_mem>>
      %dma_start3A_511 = arith.constant 0 : i32
      %dma_start3A_512 = arith.constant 0 : i32
      %dma_start3A_513 = tpu.memref_slice %arg13[%dma_start3A_511, %dma_start3A_512] : memref<128x128xf32, #tpu.memory_space<vmem>> -> memref<104x128xf32, #tpu.memory_space<vmem>>
      %dma_start3A_514 = arith.constant 0 : i32
      %dma_start3A_515 = tpu.memref_slice %arg14[%add3A_67, %dma_start3A_514] : memref<10000x128xf32, #tpu.memory_space<vmem_shared>> -> memref<104x128xf32, #tpu.memory_space<vmem_shared>>
      %dma_start3A_516 = arith.constant 0 : i32
      %dma_start3A_517 = tpu.memref_slice %arg14[%add3A_67, %dma_start3A_516] : memref<10000x128xf32, #tpu.memory_space<vmem_shared>> -> memref<104x128xf32, #tpu.memory_space<vmem_shared>>
      %dma_start3A_518 = arith.constant 0 : i32
      %dma_start3A_519 = arith.constant 0 : i32
      %dma_start3A_520 = tpu.memref_slice %arg13[%dma_start3A_518, %dma_start3A_519] : memref<128x128xf32, #tpu.memory_space<vmem>> -> memref<104x128xf32, #tpu.memory_space<vmem>>
      tpu.enqueue_dma source(%dma_start3A_520 : memref<104x128xf32, #tpu.memory_space<vmem>>) target(%dma_start3A_517 : memref<104x128xf32, #tpu.memory_space<vmem_shared>>) target_semaphore(%run_scoped3A_510 : memref<!tpu.dma_semaphore, #tpu.memory_space<semaphore_mem>>)
      %dma_wait3A_521 = arith.constant 0 : i32
      %dma_wait3A_522 = arith.constant 0 : i32
      %dma_wait3A_523 = tpu.memref_slice %arg13[%dma_wait3A_521, %dma_wait3A_522] : memref<128x128xf32, #tpu.memory_space<vmem>> -> memref<104x128xf32, #tpu.memory_space<vmem>>
      %dma_wait3A_524 = arith.constant 0 : i32
      %dma_wait3A_525 = tpu.memref_slice %arg14[%add3A_67, %dma_wait3A_524] : memref<10000x128xf32, #tpu.memory_space<vmem_shared>> -> memref<104x128xf32, #tpu.memory_space<vmem_shared>>
      %dma_wait3A_526 = arith.constant 0 : i32
      %dma_wait3A_527 = tpu.memref_slice %arg14[%add3A_67, %dma_wait3A_526] : memref<10000x128xf32, #tpu.memory_space<vmem_shared>> -> memref<104x128xf32, #tpu.memory_space<vmem_shared>>
      %dma_wait3A_528 = arith.constant 0 : i32
      %dma_wait3A_529 = arith.constant 0 : i32
      %dma_wait3A_530 = tpu.memref_slice %arg13[%dma_wait3A_528, %dma_wait3A_529] : memref<128x128xf32, #tpu.memory_space<vmem>> -> memref<104x128xf32, #tpu.memory_space<vmem>>
      tpu.wait_dma2 semaphore(%run_scoped3A_510 : memref<!tpu.dma_semaphore, #tpu.memory_space<semaphore_mem>>) src(%dma_wait3A_530 : memref<104x128xf32, #tpu.memory_space<vmem>>) dst(%dma_wait3A_527 : memref<104x128xf32, #tpu.memory_space<vmem_shared>>)
      tpu.yield
    }) : () -> ()
    %add3A_68 = arith.constant 104 : i32
    %add3A_69 = arith.addi %mul3A_0, %add3A_68 : i32
    "tpu.region"() ({
      %run_scoped3A_510 = tpu.sem_alloc : memref<!tpu.dma_semaphore, #tpu.memory_space<semaphore_mem>>
      %dma_start3A_511 = arith.constant 0 : i32
      %dma_start3A_512 = arith.constant 0 : i32
      %dma_start3A_513 = tpu.memref_slice %arg13[%dma_start3A_511, %dma_start3A_512] : memref<128x128xf32, #tpu.memory_space<vmem>> -> memref<104x128xf32, #tpu.memory_space<vmem>>
      %dma_start3A_514 = arith.constant 0 : i32
      %dma_start3A_515 = tpu.memref_slice %arg14[%add3A_69, %dma_start3A_514] : memref<10000x128xf32, #tpu.memory_space<vmem_shared>> -> memref<104x128xf32, #tpu.memory_space<vmem_shared>>
      %dma_start3A_516 = arith.constant 0 : i32
      %dma_start3A_517 = tpu.memref_slice %arg14[%add3A_69, %dma_start3A_516] : memref<10000x128xf32, #tpu.memory_space<vmem_shared>> -> memref<104x128xf32, #tpu.memory_space<vmem_shared>>
      %dma_start3A_518 = arith.constant 0 : i32
      %dma_start3A_519 = arith.constant 0 : i32
      %dma_start3A_520 = tpu.memref_slice %arg13[%dma_start3A_518, %dma_start3A_519] : memref<128x128xf32, #tpu.memory_space<vmem>> -> memref<104x128xf32, #tpu.memory_space<vmem>>
      tpu.enqueue_dma source(%dma_start3A_520 : memref<104x128xf32, #tpu.memory_space<vmem>>) target(%dma_start3A_517 : memref<104x128xf32, #tpu.memory_space<vmem_shared>>) target_semaphore(%run_scoped3A_510 : memref<!tpu.dma_semaphore, #tpu.memory_space<semaphore_mem>>)
      %dma_wait3A_521 = arith.constant 0 : i32
      %dma_wait3A_522 = arith.constant 0 : i32
      %dma_wait3A_523 = tpu.memref_slice %arg13[%dma_wait3A_521, %dma_wait3A_522] : memref<128x128xf32, #tpu.memory_space<vmem>> -> memref<104x128xf32, #tpu.memory_space<vmem>>
      %dma_wait3A_524 = arith.constant 0 : i32
      %dma_wait3A_525 = tpu.memref_slice %arg14[%add3A_69, %dma_wait3A_524] : memref<10000x128xf32, #tpu.memory_space<vmem_shared>> -> memref<104x128xf32, #tpu.memory_space<vmem_shared>>
      %dma_wait3A_526 = arith.constant 0 : i32
      %dma_wait3A_527 = tpu.memref_slice %arg14[%add3A_69, %dma_wait3A_526] : memref<10000x128xf32, #tpu.memory_space<vmem_shared>> -> memref<104x128xf32, #tpu.memory_space<vmem_shared>>
      %dma_wait3A_528 = arith.constant 0 : i32
      %dma_wait3A_529 = arith.constant 0 : i32
      %dma_wait3A_530 = tpu.memref_slice %arg13[%dma_wait3A_528, %dma_wait3A_529] : memref<128x128xf32, #tpu.memory_space<vmem>> -> memref<104x128xf32, #tpu.memory_space<vmem>>
      tpu.wait_dma2 semaphore(%run_scoped3A_510 : memref<!tpu.dma_semaphore, #tpu.memory_space<semaphore_mem>>) src(%dma_wait3A_530 : memref<104x128xf32, #tpu.memory_space<vmem>>) dst(%dma_wait3A_527 : memref<104x128xf32, #tpu.memory_space<vmem_shared>>)
      tpu.yield
    }) : () -> ()
    %add3A_70 = arith.constant 208 : i32
    %add3A_71 = arith.addi %mul3A_0, %add3A_70 : i32
    "tpu.region"() ({
      %run_scoped3A_510 = tpu.sem_alloc : memref<!tpu.dma_semaphore, #tpu.memory_space<semaphore_mem>>
      %dma_start3A_511 = arith.constant 0 : i32
      %dma_start3A_512 = arith.constant 0 : i32
      %dma_start3A_513 = tpu.memref_slice %arg13[%dma_start3A_511, %dma_start3A_512] : memref<128x128xf32, #tpu.memory_space<vmem>> -> memref<104x128xf32, #tpu.memory_space<vmem>>
      %dma_start3A_514 = arith.constant 0 : i32
      %dma_start3A_515 = tpu.memref_slice %arg14[%add3A_71, %dma_start3A_514] : memref<10000x128xf32, #tpu.memory_space<vmem_shared>> -> memref<104x128xf32, #tpu.memory_space<vmem_shared>>
      %dma_start3A_516 = arith.constant 0 : i32
      %dma_start3A_517 = tpu.memref_slice %arg14[%add3A_71, %dma_start3A_516] : memref<10000x128xf32, #tpu.memory_space<vmem_shared>> -> memref<104x128xf32, #tpu.memory_space<vmem_shared>>
      %dma_start3A_518 = arith.constant 0 : i32
      %dma_start3A_519 = arith.constant 0 : i32
      %dma_start3A_520 = tpu.memref_slice %arg13[%dma_start3A_518, %dma_start3A_519] : memref<128x128xf32, #tpu.memory_space<vmem>> -> memref<104x128xf32, #tpu.memory_space<vmem>>
      tpu.enqueue_dma source(%dma_start3A_520 : memref<104x128xf32, #tpu.memory_space<vmem>>) target(%dma_start3A_517 : memref<104x128xf32, #tpu.memory_space<vmem_shared>>) target_semaphore(%run_scoped3A_510 : memref<!tpu.dma_semaphore, #tpu.memory_space<semaphore_mem>>)
      %dma_wait3A_521 = arith.constant 0 : i32
      %dma_wait3A_522 = arith.constant 0 : i32
      %dma_wait3A_523 = tpu.memref_slice %arg13[%dma_wait3A_521, %dma_wait3A_522] : memref<128x128xf32, #tpu.memory_space<vmem>> -> memref<104x128xf32, #tpu.memory_space<vmem>>
      %dma_wait3A_524 = arith.constant 0 : i32
      %dma_wait3A_525 = tpu.memref_slice %arg14[%add3A_71, %dma_wait3A_524] : memref<10000x128xf32, #tpu.memory_space<vmem_shared>> -> memref<104x128xf32, #tpu.memory_space<vmem_shared>>
      %dma_wait3A_526 = arith.constant 0 : i32
      %dma_wait3A_527 = tpu.memref_slice %arg14[%add3A_71, %dma_wait3A_526] : memref<10000x128xf32, #tpu.memory_space<vmem_shared>> -> memref<104x128xf32, #tpu.memory_space<vmem_shared>>
      %dma_wait3A_528 = arith.constant 0 : i32
      %dma_wait3A_529 = arith.constant 0 : i32
      %dma_wait3A_530 = tpu.memref_slice %arg13[%dma_wait3A_528, %dma_wait3A_529] : memref<128x128xf32, #tpu.memory_space<vmem>> -> memref<104x128xf32, #tpu.memory_space<vmem>>
      tpu.wait_dma2 semaphore(%run_scoped3A_510 : memref<!tpu.dma_semaphore, #tpu.memory_space<semaphore_mem>>) src(%dma_wait3A_530 : memref<104x128xf32, #tpu.memory_space<vmem>>) dst(%dma_wait3A_527 : memref<104x128xf32, #tpu.memory_space<vmem_shared>>)
      tpu.yield
    }) : () -> ()
    %add3A_72 = arith.constant 312 : i32
    %add3A_73 = arith.addi %mul3A_0, %add3A_72 : i32
    "tpu.region"() ({
      %run_scoped3A_510 = tpu.sem_alloc : memref<!tpu.dma_semaphore, #tpu.memory_space<semaphore_mem>>
      %dma_start3A_511 = arith.constant 0 : i32
      %dma_start3A_512 = arith.constant 0 : i32
      %dma_start3A_513 = tpu.memref_slice %arg13[%dma_start3A_511, %dma_start3A_512] : memref<128x128xf32, #tpu.memory_space<vmem>> -> memref<104x128xf32, #tpu.memory_space<vmem>>
      %dma_start3A_514 = arith.constant 0 : i32
      %dma_start3A_515 = tpu.memref_slice %arg14[%add3A_73, %dma_start3A_514] : memref<10000x128xf32, #tpu.memory_space<vmem_shared>> -> memref<104x128xf32, #tpu.memory_space<vmem_shared>>
      %dma_start3A_516 = arith.constant 0 : i32
      %dma_start3A_517 = tpu.memref_slice %arg14[%add3A_73, %dma_start3A_516] : memref<10000x128xf32, #tpu.memory_space<vmem_shared>> -> memref<104x128xf32, #tpu.memory_space<vmem_shared>>
      %dma_start3A_518 = arith.constant 0 : i32
      %dma_start3A_519 = arith.constant 0 : i32
      %dma_start3A_520 = tpu.memref_slice %arg13[%dma_start3A_518, %dma_start3A_519] : memref<128x128xf32, #tpu.memory_space<vmem>> -> memref<104x128xf32, #tpu.memory_space<vmem>>
      tpu.enqueue_dma source(%dma_start3A_520 : memref<104x128xf32, #tpu.memory_space<vmem>>) target(%dma_start3A_517 : memref<104x128xf32, #tpu.memory_space<vmem_shared>>) target_semaphore(%run_scoped3A_510 : memref<!tpu.dma_semaphore, #tpu.memory_space<semaphore_mem>>)
      %dma_wait3A_521 = arith.constant 0 : i32
      %dma_wait3A_522 = arith.constant 0 : i32
      %dma_wait3A_523 = tpu.memref_slice %arg13[%dma_wait3A_521, %dma_wait3A_522] : memref<128x128xf32, #tpu.memory_space<vmem>> -> memref<104x128xf32, #tpu.memory_space<vmem>>
      %dma_wait3A_524 = arith.constant 0 : i32
      %dma_wait3A_525 = tpu.memref_slice %arg14[%add3A_73, %dma_wait3A_524] : memref<10000x128xf32, #tpu.memory_space<vmem_shared>> -> memref<104x128xf32, #tpu.memory_space<vmem_shared>>
      %dma_wait3A_526 = arith.constant 0 : i32
      %dma_wait3A_527 = tpu.memref_slice %arg14[%add3A_73, %dma_wait3A_526] : memref<10000x128xf32, #tpu.memory_space<vmem_shared>> -> memref<104x128xf32, #tpu.memory_space<vmem_shared>>
      %dma_wait3A_528 = arith.constant 0 : i32
      %dma_wait3A_529 = arith.constant 0 : i32
      %dma_wait3A_530 = tpu.memref_slice %arg13[%dma_wait3A_528, %dma_wait3A_529] : memref<128x128xf32, #tpu.memory_space<vmem>> -> memref<104x128xf32, #tpu.memory_space<vmem>>
      tpu.wait_dma2 semaphore(%run_scoped3A_510 : memref<!tpu.dma_semaphore, #tpu.memory_space<semaphore_mem>>) src(%dma_wait3A_530 : memref<104x128xf32, #tpu.memory_space<vmem>>) dst(%dma_wait3A_527 : memref<104x128xf32, #tpu.memory_space<vmem_shared>>)
      tpu.yield
    }) : () -> ()
    %add3A_74 = arith.constant 416 : i32
    %add3A_75 = arith.addi %mul3A_0, %add3A_74 : i32
    "tpu.region"() ({
      %run_scoped3A_510 = tpu.sem_alloc : memref<!tpu.dma_semaphore, #tpu.memory_space<semaphore_mem>>
      %dma_start3A_511 = arith.constant 0 : i32
      %dma_start3A_512 = arith.constant 0 : i32
      %dma_start3A_513 = tpu.memref_slice %arg13[%dma_start3A_511, %dma_start3A_512] : memref<128x128xf32, #tpu.memory_space<vmem>> -> memref<104x128xf32, #tpu.memory_space<vmem>>
      %dma_start3A_514 = arith.constant 0 : i32
      %dma_start3A_515 = tpu.memref_slice %arg14[%add3A_75, %dma_start3A_514] : memref<10000x128xf32, #tpu.memory_space<vmem_shared>> -> memref<104x128xf32, #tpu.memory_space<vmem_shared>>
      %dma_start3A_516 = arith.constant 0 : i32
      %dma_start3A_517 = tpu.memref_slice %arg14[%add3A_75, %dma_start3A_516] : memref<10000x128xf32, #tpu.memory_space<vmem_shared>> -> memref<104x128xf32, #tpu.memory_space<vmem_shared>>
      %dma_start3A_518 = arith.constant 0 : i32
      %dma_start3A_519 = arith.constant 0 : i32
      %dma_start3A_520 = tpu.memref_slice %arg13[%dma_start3A_518, %dma_start3A_519] : memref<128x128xf32, #tpu.memory_space<vmem>> -> memref<104x128xf32, #tpu.memory_space<vmem>>
      tpu.enqueue_dma source(%dma_start3A_520 : memref<104x128xf32, #tpu.memory_space<vmem>>) target(%dma_start3A_517 : memref<104x128xf32, #tpu.memory_space<vmem_shared>>) target_semaphore(%run_scoped3A_510 : memref<!tpu.dma_semaphore, #tpu.memory_space<semaphore_mem>>)
      %dma_wait3A_521 = arith.constant 0 : i32
      %dma_wait3A_522 = arith.constant 0 : i32
      %dma_wait3A_523 = tpu.memref_slice %arg13[%dma_wait3A_521, %dma_wait3A_522] : memref<128x128xf32, #tpu.memory_space<vmem>> -> memref<104x128xf32, #tpu.memory_space<vmem>>
      %dma_wait3A_524 = arith.constant 0 : i32
      %dma_wait3A_525 = tpu.memref_slice %arg14[%add3A_75, %dma_wait3A_524] : memref<10000x128xf32, #tpu.memory_space<vmem_shared>> -> memref<104x128xf32, #tpu.memory_space<vmem_shared>>
      %dma_wait3A_526 = arith.constant 0 : i32
      %dma_wait3A_527 = tpu.memref_slice %arg14[%add3A_75, %dma_wait3A_526] : memref<10000x128xf32, #tpu.memory_space<vmem_shared>> -> memref<104x128xf32, #tpu.memory_space<vmem_shared>>
      %dma_wait3A_528 = arith.constant 0 : i32
      %dma_wait3A_529 = arith.constant 0 : i32
      %dma_wait3A_530 = tpu.memref_slice %arg13[%dma_wait3A_528, %dma_wait3A_529] : memref<128x128xf32, #tpu.memory_space<vmem>> -> memref<104x128xf32, #tpu.memory_space<vmem>>
      tpu.wait_dma2 semaphore(%run_scoped3A_510 : memref<!tpu.dma_semaphore, #tpu.memory_space<semaphore_mem>>) src(%dma_wait3A_530 : memref<104x128xf32, #tpu.memory_space<vmem>>) dst(%dma_wait3A_527 : memref<104x128xf32, #tpu.memory_space<vmem_shared>>)
      tpu.yield
    }) : () -> ()
    %add3A_76 = arith.constant 520 : i32
    %add3A_77 = arith.addi %mul3A_0, %add3A_76 : i32
    "tpu.region"() ({
      %run_scoped3A_510 = tpu.sem_alloc : memref<!tpu.dma_semaphore, #tpu.memory_space<semaphore_mem>>
      %dma_start3A_511 = arith.constant 0 : i32
      %dma_start3A_512 = arith.constant 0 : i32
      %dma_start3A_513 = tpu.memref_slice %arg13[%dma_start3A_511, %dma_start3A_512] : memref<128x128xf32, #tpu.memory_space<vmem>> -> memref<104x128xf32, #tpu.memory_space<vmem>>
      %dma_start3A_514 = arith.constant 0 : i32
      %dma_start3A_515 = tpu.memref_slice %arg14[%add3A_77, %dma_start3A_514] : memref<10000x128xf32, #tpu.memory_space<vmem_shared>> -> memref<104x128xf32, #tpu.memory_space<vmem_shared>>
      %dma_start3A_516 = arith.constant 0 : i32
      %dma_start3A_517 = tpu.memref_slice %arg14[%add3A_77, %dma_start3A_516] : memref<10000x128xf32, #tpu.memory_space<vmem_shared>> -> memref<104x128xf32, #tpu.memory_space<vmem_shared>>
      %dma_start3A_518 = arith.constant 0 : i32
      %dma_start3A_519 = arith.constant 0 : i32
      %dma_start3A_520 = tpu.memref_slice %arg13[%dma_start3A_518, %dma_start3A_519] : memref<128x128xf32, #tpu.memory_space<vmem>> -> memref<104x128xf32, #tpu.memory_space<vmem>>
      tpu.enqueue_dma source(%dma_start3A_520 : memref<104x128xf32, #tpu.memory_space<vmem>>) target(%dma_start3A_517 : memref<104x128xf32, #tpu.memory_space<vmem_shared>>) target_semaphore(%run_scoped3A_510 : memref<!tpu.dma_semaphore, #tpu.memory_space<semaphore_mem>>)
      %dma_wait3A_521 = arith.constant 0 : i32
      %dma_wait3A_522 = arith.constant 0 : i32
      %dma_wait3A_523 = tpu.memref_slice %arg13[%dma_wait3A_521, %dma_wait3A_522] : memref<128x128xf32, #tpu.memory_space<vmem>> -> memref<104x128xf32, #tpu.memory_space<vmem>>
      %dma_wait3A_524 = arith.constant 0 : i32
      %dma_wait3A_525 = tpu.memref_slice %arg14[%add3A_77, %dma_wait3A_524] : memref<10000x128xf32, #tpu.memory_space<vmem_shared>> -> memref<104x128xf32, #tpu.memory_space<vmem_shared>>
      %dma_wait3A_526 = arith.constant 0 : i32
      %dma_wait3A_527 = tpu.memref_slice %arg14[%add3A_77, %dma_wait3A_526] : memref<10000x128xf32, #tpu.memory_space<vmem_shared>> -> memref<104x128xf32, #tpu.memory_space<vmem_shared>>
      %dma_wait3A_528 = arith.constant 0 : i32
      %dma_wait3A_529 = arith.constant 0 : i32
      %dma_wait3A_530 = tpu.memref_slice %arg13[%dma_wait3A_528, %dma_wait3A_529] : memref<128x128xf32, #tpu.memory_space<vmem>> -> memref<104x128xf32, #tpu.memory_space<vmem>>
      tpu.wait_dma2 semaphore(%run_scoped3A_510 : memref<!tpu.dma_semaphore, #tpu.memory_space<semaphore_mem>>) src(%dma_wait3A_530 : memref<104x128xf32, #tpu.memory_space<vmem>>) dst(%dma_wait3A_527 : memref<104x128xf32, #tpu.memory_space<vmem_shared>>)
      tpu.yield
    }) : () -> ()
    %convert_element_type3A = arith.extui %eq3A_1 : i1 to i32
    %cond3A = arith.constant 0 : i32
    %cond3A_78 = arith.cmpi ne, %convert_element_type3A, %cond3A : i32
    scf.if %cond3A_78 {
      "tpu.region"() ({
        %run_scoped3A_510 = tpu.sem_alloc : memref<!tpu.dma_semaphore, #tpu.memory_space<semaphore_mem>>
        %dma_start3A_511 = arith.constant 0 : i32
        %dma_start3A_512 = arith.constant 0 : i32
        %dma_start3A_513 = tpu.memref_slice %arg13[%dma_start3A_511, %dma_start3A_512] : memref<128x128xf32, #tpu.memory_space<vmem>> -> memref<16x128xf32, #tpu.memory_space<vmem>>
        %dma_start3A_514 = arith.constant 9984 : i32
        %dma_start3A_515 = arith.constant 0 : i32
        %dma_start3A_516 = tpu.memref_slice %arg14[%dma_start3A_514, %dma_start3A_515] : memref<10000x128xf32, #tpu.memory_space<vmem_shared>> -> memref<16x128xf32, #tpu.memory_space<vmem_shared>>
        %dma_start3A_517 = arith.constant 9984 : i32
        %dma_start3A_518 = arith.constant 0 : i32
        %dma_start3A_519 = tpu.memref_slice %arg14[%dma_start3A_517, %dma_start3A_518] : memref<10000x128xf32, #tpu.memory_space<vmem_shared>> -> memref<16x128xf32, #tpu.memory_space<vmem_shared>>
        %dma_start3A_520 = arith.constant 0 : i32
        %dma_start3A_521 = arith.constant 0 : i32
        %dma_start3A_522 = tpu.memref_slice %arg13[%dma_start3A_520, %dma_start3A_521] : memref<128x128xf32, #tpu.memory_space<vmem>> -> memref<16x128xf32, #tpu.memory_space<vmem>>
        tpu.enqueue_dma source(%dma_start3A_522 : memref<16x128xf32, #tpu.memory_space<vmem>>) target(%dma_start3A_519 : memref<16x128xf32, #tpu.memory_space<vmem_shared>>) target_semaphore(%run_scoped3A_510 : memref<!tpu.dma_semaphore, #tpu.memory_space<semaphore_mem>>)
        %dma_wait3A_523 = arith.constant 0 : i32
        %dma_wait3A_524 = arith.constant 0 : i32
        %dma_wait3A_525 = tpu.memref_slice %arg13[%dma_wait3A_523, %dma_wait3A_524] : memref<128x128xf32, #tpu.memory_space<vmem>> -> memref<16x128xf32, #tpu.memory_space<vmem>>
        %dma_wait3A_526 = arith.constant 9984 : i32
        %dma_wait3A_527 = arith.constant 0 : i32
        %dma_wait3A_528 = tpu.memref_slice %arg14[%dma_wait3A_526, %dma_wait3A_527] : memref<10000x128xf32, #tpu.memory_space<vmem_shared>> -> memref<16x128xf32, #tpu.memory_space<vmem_shared>>
        %dma_wait3A_529 = arith.constant 9984 : i32
        %dma_wait3A_530 = arith.constant 0 : i32
        %dma_wait3A_531 = tpu.memref_slice %arg14[%dma_wait3A_529, %dma_wait3A_530] : memref<10000x128xf32, #tpu.memory_space<vmem_shared>> -> memref<16x128xf32, #tpu.memory_space<vmem_shared>>
        %dma_wait3A_532 = arith.constant 0 : i32
        %dma_wait3A_533 = arith.constant 0 : i32
        %dma_wait3A_534 = tpu.memref_slice %arg13[%dma_wait3A_532, %dma_wait3A_533] : memref<128x128xf32, #tpu.memory_space<vmem>> -> memref<16x128xf32, #tpu.memory_space<vmem>>
        tpu.wait_dma2 semaphore(%run_scoped3A_510 : memref<!tpu.dma_semaphore, #tpu.memory_space<semaphore_mem>>) src(%dma_wait3A_534 : memref<16x128xf32, #tpu.memory_space<vmem>>) dst(%dma_wait3A_531 : memref<16x128xf32, #tpu.memory_space<vmem_shared>>)
        tpu.yield
      }) : () -> ()
    } else {
    }
    %barrier3A = arith.constant 0 : index
    tpu.barrier barrier_id(%barrier3A)
    %dma_wait3A_79 = arith.constant 0 : i32
    %dma_wait3A_80 = arith.constant 0 : i32
    %dma_wait3A_81 = tpu.memref_slice %arg3[%dma_wait3A_79, %dma_wait3A_80] : memref<2x320000xi32, #tpu.memory_space<hbm>> -> memref<1x128xi32, #tpu.memory_space<hbm>>
    %dma_wait3A_82 = tpu.memref_squeeze %dma_wait3A_81 : memref<1x128xi32, #tpu.memory_space<hbm>> -> memref<128xi32, #tpu.memory_space<hbm>>
    %dma_wait3A_83 = arith.constant 0 : i32
    %dma_wait3A_84 = tpu.memref_slice %arg3[%dma_wait3A_79, %dma_wait3A_83] : memref<2x320000xi32, #tpu.memory_space<hbm>> -> memref<1x128xi32, #tpu.memory_space<hbm>>
    %dma_wait3A_85 = tpu.memref_squeeze %dma_wait3A_84 : memref<1x128xi32, #tpu.memory_space<hbm>> -> memref<128xi32, #tpu.memory_space<hbm>>
    tpu.wait_dma2 semaphore(%arg20 : memref<!tpu.dma_semaphore, #tpu.memory_space<semaphore_mem>>) src(%dma_wait3A_85 : memref<128xi32, #tpu.memory_space<hbm>>) dst(%arg7 : memref<128xi32, #tpu.memory_space<vmem>>)
    %dma_start3A_86 = arith.constant 0 : i32
    %dma_start3A_87 = arith.constant 0 : i32
    %dma_start3A_88 = tpu.memref_slice %arg2[%dma_start3A_86, %dma_start3A_87] : memref<10000x128xf32, #tpu.memory_space<hbm>> -> memref<10000x128xf32, #tpu.memory_space<hbm>>
    tpu.enqueue_indirect_dma source(%dma_start3A_88 : memref<10000x128xf32, #tpu.memory_space<hbm>>) target(%arg13 : memref<128x128xf32, #tpu.memory_space<vmem>>) offsets(%arg7 : memref<128xi32, #tpu.memory_space<vmem>>) semaphore(%arg17 : memref<!tpu.dma_semaphore, #tpu.memory_space<semaphore_mem>>)
    %add3A_89 = arith.constant 256 : i32
    %add3A_90 = arith.addi %mul3A_5, %add3A_89 : i32
    %dma_start3A_91 = arith.constant 1 : i32
    %dma_start3A_92 = arith.constant 0 : i32
    %dma_start3A_93 = arith.constant 0 : i32
    %dma_start3A_94 = tpu.memref_slice %arg10[%dma_start3A_92, %dma_start3A_93] : memref<1x128xi32, #tpu.memory_space<vmem>> -> memref<1x128xi32, #tpu.memory_space<vmem>>
    %dma_start3A_95 = tpu.memref_squeeze %dma_start3A_94 : memref<1x128xi32, #tpu.memory_space<vmem>> -> memref<128xi32, #tpu.memory_space<vmem>>
    %dma_start3A_96 = tpu.memref_slice %arg3[%dma_start3A_91, %add3A_90] : memref<2x320000xi32, #tpu.memory_space<hbm>> -> memref<1x128xi32, #tpu.memory_space<hbm>>
    %dma_start3A_97 = tpu.memref_squeeze %dma_start3A_96 : memref<1x128xi32, #tpu.memory_space<hbm>> -> memref<128xi32, #tpu.memory_space<hbm>>
    %dma_start3A_98 = arith.constant 0 : i32
    %dma_start3A_99 = tpu.memref_slice %arg10[%dma_start3A_92, %dma_start3A_98] : memref<1x128xi32, #tpu.memory_space<vmem>> -> memref<1x128xi32, #tpu.memory_space<vmem>>
    %dma_start3A_100 = tpu.memref_squeeze %dma_start3A_99 : memref<1x128xi32, #tpu.memory_space<vmem>> -> memref<128xi32, #tpu.memory_space<vmem>>
    %dma_start3A_101 = tpu.memref_slice %arg3[%dma_start3A_91, %add3A_90] : memref<2x320000xi32, #tpu.memory_space<hbm>> -> memref<1x128xi32, #tpu.memory_space<hbm>>
    %dma_start3A_102 = tpu.memref_squeeze %dma_start3A_101 : memref<1x128xi32, #tpu.memory_space<hbm>> -> memref<128xi32, #tpu.memory_space<hbm>>
    tpu.enqueue_dma source(%dma_start3A_102 : memref<128xi32, #tpu.memory_space<hbm>>) target(%dma_start3A_100 : memref<128xi32, #tpu.memory_space<vmem>>) target_semaphore(%arg23 : memref<!tpu.dma_semaphore, #tpu.memory_space<semaphore_mem>>)
    %dma_wait3A_103 = arith.constant 0 : i32
    %dma_wait3A_104 = arith.constant 0 : i32
    %dma_wait3A_105 = tpu.memref_slice %arg2[%dma_wait3A_103, %dma_wait3A_104] : memref<10000x128xf32, #tpu.memory_space<hbm>> -> memref<128x128xf32, #tpu.memory_space<hbm>>
    %dma_wait3A_106 = arith.constant 0 : i32
    %dma_wait3A_107 = arith.constant 0 : i32
    %dma_wait3A_108 = tpu.memref_slice %arg2[%dma_wait3A_106, %dma_wait3A_107] : memref<10000x128xf32, #tpu.memory_space<hbm>> -> memref<128x128xf32, #tpu.memory_space<hbm>>
    tpu.wait_dma2 semaphore(%arg15 : memref<!tpu.dma_semaphore, #tpu.memory_space<semaphore_mem>>) src(%dma_wait3A_108 : memref<128x128xf32, #tpu.memory_space<hbm>>) dst(%arg11 : memref<128x128xf32, #tpu.memory_space<vmem>>)
    %dma_wait3A_109 = arith.constant 1 : i32
    %dma_wait3A_110 = arith.constant 0 : i32
    %dma_wait3A_111 = arith.constant 0 : i32
    %dma_wait3A_112 = tpu.memref_slice %arg8[%dma_wait3A_110, %dma_wait3A_111] : memref<1x128xi32, #tpu.memory_space<vmem>> -> memref<1x128xi32, #tpu.memory_space<vmem>>
    %dma_wait3A_113 = tpu.memref_squeeze %dma_wait3A_112 : memref<1x128xi32, #tpu.memory_space<vmem>> -> memref<128xi32, #tpu.memory_space<vmem>>
    %dma_wait3A_114 = arith.constant 0 : i32
    %dma_wait3A_115 = tpu.memref_slice %arg3[%dma_wait3A_109, %dma_wait3A_114] : memref<2x320000xi32, #tpu.memory_space<hbm>> -> memref<1x128xi32, #tpu.memory_space<hbm>>
    %dma_wait3A_116 = tpu.memref_squeeze %dma_wait3A_115 : memref<1x128xi32, #tpu.memory_space<hbm>> -> memref<128xi32, #tpu.memory_space<hbm>>
    %dma_wait3A_117 = arith.constant 0 : i32
    %dma_wait3A_118 = tpu.memref_slice %arg8[%dma_wait3A_110, %dma_wait3A_117] : memref<1x128xi32, #tpu.memory_space<vmem>> -> memref<1x128xi32, #tpu.memory_space<vmem>>
    %dma_wait3A_119 = tpu.memref_squeeze %dma_wait3A_118 : memref<1x128xi32, #tpu.memory_space<vmem>> -> memref<128xi32, #tpu.memory_space<vmem>>
    %dma_wait3A_120 = arith.constant 0 : i32
    %dma_wait3A_121 = tpu.memref_slice %arg3[%dma_wait3A_109, %dma_wait3A_120] : memref<2x320000xi32, #tpu.memory_space<hbm>> -> memref<1x128xi32, #tpu.memory_space<hbm>>
    %dma_wait3A_122 = tpu.memref_squeeze %dma_wait3A_121 : memref<1x128xi32, #tpu.memory_space<hbm>> -> memref<128xi32, #tpu.memory_space<hbm>>
    tpu.wait_dma2 semaphore(%arg21 : memref<!tpu.dma_semaphore, #tpu.memory_space<semaphore_mem>>) src(%dma_wait3A_122 : memref<128xi32, #tpu.memory_space<hbm>>) dst(%dma_wait3A_119 : memref<128xi32, #tpu.memory_space<vmem>>)
    %dma_start3A_123 = arith.constant 0 : i32
    %dma_start3A_124 = arith.constant 0 : i32
    %dma_start3A_125 = tpu.memref_slice %arg8[%dma_start3A_123, %dma_start3A_124] : memref<1x128xi32, #tpu.memory_space<vmem>> -> memref<1x128xi32, #tpu.memory_space<vmem>>
    %dma_start3A_126 = tpu.memref_squeeze %dma_start3A_125 : memref<1x128xi32, #tpu.memory_space<vmem>> -> memref<128xi32, #tpu.memory_space<vmem>>
    %dma_start3A_127 = arith.constant 0 : i32
    %dma_start3A_128 = arith.constant 0 : i32
    %dma_start3A_129 = tpu.memref_slice %arg14[%dma_start3A_127, %dma_start3A_128] : memref<10000x128xf32, #tpu.memory_space<vmem_shared>> -> memref<10000x128xf32, #tpu.memory_space<vmem_shared>>
    tpu.enqueue_indirect_dma source(%arg11 : memref<128x128xf32, #tpu.memory_space<vmem>>) target(%dma_start3A_129 : memref<10000x128xf32, #tpu.memory_space<vmem_shared>>) offsets(%dma_start3A_126 : memref<128xi32, #tpu.memory_space<vmem>>) semaphore(%arg24 : memref<!tpu.dma_semaphore, #tpu.memory_space<semaphore_mem>>) {add = true}
    %add3A_130 = arith.constant 384 : i32
    %add3A_131 = arith.addi %mul3A_5, %add3A_130 : i32
    %dma_start3A_132 = arith.constant 0 : i32
    %dma_start3A_133 = tpu.memref_slice %arg3[%dma_start3A_132, %add3A_131] : memref<2x320000xi32, #tpu.memory_space<hbm>> -> memref<1x128xi32, #tpu.memory_space<hbm>>
    %dma_start3A_134 = tpu.memref_squeeze %dma_start3A_133 : memref<1x128xi32, #tpu.memory_space<hbm>> -> memref<128xi32, #tpu.memory_space<hbm>>
    %dma_start3A_135 = tpu.memref_slice %arg3[%dma_start3A_132, %add3A_131] : memref<2x320000xi32, #tpu.memory_space<hbm>> -> memref<1x128xi32, #tpu.memory_space<hbm>>
    %dma_start3A_136 = tpu.memref_squeeze %dma_start3A_135 : memref<1x128xi32, #tpu.memory_space<hbm>> -> memref<128xi32, #tpu.memory_space<hbm>>
    tpu.enqueue_dma source(%dma_start3A_136 : memref<128xi32, #tpu.memory_space<hbm>>) target(%arg5 : memref<128xi32, #tpu.memory_space<vmem>>) target_semaphore(%arg18 : memref<!tpu.dma_semaphore, #tpu.memory_space<semaphore_mem>>)
    %dma_wait3A_137 = arith.constant 0 : i32
    %dma_wait3A_138 = arith.constant 0 : i32
    %dma_wait3A_139 = tpu.memref_slice %arg8[%dma_wait3A_137, %dma_wait3A_138] : memref<1x128xi32, #tpu.memory_space<vmem>> -> memref<1x128xi32, #tpu.memory_space<vmem>>
    %dma_wait3A_140 = tpu.memref_squeeze %dma_wait3A_139 : memref<1x128xi32, #tpu.memory_space<vmem>> -> memref<128xi32, #tpu.memory_space<vmem>>
    %dma_wait3A_141 = arith.constant 0 : i32
    %dma_wait3A_142 = arith.constant 0 : i32
    %dma_wait3A_143 = tpu.memref_slice %arg14[%dma_wait3A_141, %dma_wait3A_142] : memref<10000x128xf32, #tpu.memory_space<vmem_shared>> -> memref<10000x128xf32, #tpu.memory_space<vmem_shared>>
    tpu.wait_indirect_dma semaphore(%arg24 : memref<!tpu.dma_semaphore, #tpu.memory_space<semaphore_mem>>) src(%arg11 : memref<128x128xf32, #tpu.memory_space<vmem>>) dst(%dma_wait3A_143 : memref<10000x128xf32, #tpu.memory_space<vmem_shared>>)
    %dma_wait3A_144 = arith.constant 0 : i32
    %dma_wait3A_145 = arith.constant 0 : i32
    %dma_wait3A_146 = tpu.memref_slice %arg3[%dma_wait3A_144, %dma_wait3A_145] : memref<2x320000xi32, #tpu.memory_space<hbm>> -> memref<1x128xi32, #tpu.memory_space<hbm>>
    %dma_wait3A_147 = tpu.memref_squeeze %dma_wait3A_146 : memref<1x128xi32, #tpu.memory_space<hbm>> -> memref<128xi32, #tpu.memory_space<hbm>>
    %dma_wait3A_148 = arith.constant 0 : i32
    %dma_wait3A_149 = tpu.memref_slice %arg3[%dma_wait3A_144, %dma_wait3A_148] : memref<2x320000xi32, #tpu.memory_space<hbm>> -> memref<1x128xi32, #tpu.memory_space<hbm>>
    %dma_wait3A_150 = tpu.memref_squeeze %dma_wait3A_149 : memref<1x128xi32, #tpu.memory_space<hbm>> -> memref<128xi32, #tpu.memory_space<hbm>>
    tpu.wait_dma2 semaphore(%arg18 : memref<!tpu.dma_semaphore, #tpu.memory_space<semaphore_mem>>) src(%dma_wait3A_150 : memref<128xi32, #tpu.memory_space<hbm>>) dst(%arg5 : memref<128xi32, #tpu.memory_space<vmem>>)
    %dma_start3A_151 = arith.constant 0 : i32
    %dma_start3A_152 = arith.constant 0 : i32
    %dma_start3A_153 = tpu.memref_slice %arg2[%dma_start3A_151, %dma_start3A_152] : memref<10000x128xf32, #tpu.memory_space<hbm>> -> memref<10000x128xf32, #tpu.memory_space<hbm>>
    tpu.enqueue_indirect_dma source(%dma_start3A_153 : memref<10000x128xf32, #tpu.memory_space<hbm>>) target(%arg11 : memref<128x128xf32, #tpu.memory_space<vmem>>) offsets(%arg5 : memref<128xi32, #tpu.memory_space<vmem>>) semaphore(%arg15 : memref<!tpu.dma_semaphore, #tpu.memory_space<semaphore_mem>>)
    %add3A_154 = arith.constant 384 : i32
    %add3A_155 = arith.addi %mul3A_5, %add3A_154 : i32
    %dma_start3A_156 = arith.constant 1 : i32
    %dma_start3A_157 = arith.constant 0 : i32
    %dma_start3A_158 = arith.constant 0 : i32
    %dma_start3A_159 = tpu.memref_slice %arg8[%dma_start3A_157, %dma_start3A_158] : memref<1x128xi32, #tpu.memory_space<vmem>> -> memref<1x128xi32, #tpu.memory_space<vmem>>
    %dma_start3A_160 = tpu.memref_squeeze %dma_start3A_159 : memref<1x128xi32, #tpu.memory_space<vmem>> -> memref<128xi32, #tpu.memory_space<vmem>>
    %dma_start3A_161 = tpu.memref_slice %arg3[%dma_start3A_156, %add3A_155] : memref<2x320000xi32, #tpu.memory_space<hbm>> -> memref<1x128xi32, #tpu.memory_space<hbm>>
    %dma_start3A_162 = tpu.memref_squeeze %dma_start3A_161 : memref<1x128xi32, #tpu.memory_space<hbm>> -> memref<128xi32, #tpu.memory_space<hbm>>
    %dma_start3A_163 = arith.constant 0 : i32
    %dma_start3A_164 = tpu.memref_slice %arg8[%dma_start3A_157, %dma_start3A_163] : memref<1x128xi32, #tpu.memory_space<vmem>> -> memref<1x128xi32, #tpu.memory_space<vmem>>
    %dma_start3A_165 = tpu.memref_squeeze %dma_start3A_164 : memref<1x128xi32, #tpu.memory_space<vmem>> -> memref<128xi32, #tpu.memory_space<vmem>>
    %dma_start3A_166 = tpu.memref_slice %arg3[%dma_start3A_156, %add3A_155] : memref<2x320000xi32, #tpu.memory_space<hbm>> -> memref<1x128xi32, #tpu.memory_space<hbm>>
    %dma_start3A_167 = tpu.memref_squeeze %dma_start3A_166 : memref<1x128xi32, #tpu.memory_space<hbm>> -> memref<128xi32, #tpu.memory_space<hbm>>
    tpu.enqueue_dma source(%dma_start3A_167 : memref<128xi32, #tpu.memory_space<hbm>>) target(%dma_start3A_165 : memref<128xi32, #tpu.memory_space<vmem>>) target_semaphore(%arg21 : memref<!tpu.dma_semaphore, #tpu.memory_space<semaphore_mem>>)
    %dma_wait3A_168 = arith.constant 0 : i32
    %dma_wait3A_169 = arith.constant 0 : i32
    %dma_wait3A_170 = tpu.memref_slice %arg2[%dma_wait3A_168, %dma_wait3A_169] : memref<10000x128xf32, #tpu.memory_space<hbm>> -> memref<128x128xf32, #tpu.memory_space<hbm>>
    %dma_wait3A_171 = arith.constant 0 : i32
    %dma_wait3A_172 = arith.constant 0 : i32
    %dma_wait3A_173 = tpu.memref_slice %arg2[%dma_wait3A_171, %dma_wait3A_172] : memref<10000x128xf32, #tpu.memory_space<hbm>> -> memref<128x128xf32, #tpu.memory_space<hbm>>
    tpu.wait_dma2 semaphore(%arg16 : memref<!tpu.dma_semaphore, #tpu.memory_space<semaphore_mem>>) src(%dma_wait3A_173 : memref<128x128xf32, #tpu.memory_space<hbm>>) dst(%arg12 : memref<128x128xf32, #tpu.memory_space<vmem>>)
    %dma_wait3A_174 = arith.constant 1 : i32
    %dma_wait3A_175 = arith.constant 0 : i32
    %dma_wait3A_176 = arith.constant 0 : i32
    %dma_wait3A_177 = tpu.memref_slice %arg9[%dma_wait3A_175, %dma_wait3A_176] : memref<1x128xi32, #tpu.memory_space<vmem>> -> memref<1x128xi32, #tpu.memory_space<vmem>>
    %dma_wait3A_178 = tpu.memref_squeeze %dma_wait3A_177 : memref<1x128xi32, #tpu.memory_space<vmem>> -> memref<128xi32, #tpu.memory_space<vmem>>
    %dma_wait3A_179 = arith.constant 0 : i32
    %dma_wait3A_180 = tpu.memref_slice %arg3[%dma_wait3A_174, %dma_wait3A_179] : memref<2x320000xi32, #tpu.memory_space<hbm>> -> memref<1x128xi32, #tpu.memory_space<hbm>>
    %dma_wait3A_181 = tpu.memref_squeeze %dma_wait3A_180 : memref<1x128xi32, #tpu.memory_space<hbm>> -> memref<128xi32, #tpu.memory_space<hbm>>
    %dma_wait3A_182 = arith.constant 0 : i32
    %dma_wait3A_183 = tpu.memref_slice %arg9[%dma_wait3A_175, %dma_wait3A_182] : memref<1x128xi32, #tpu.memory_space<vmem>> -> memref<1x128xi32, #tpu.memory_space<vmem>>
    %dma_wait3A_184 = tpu.memref_squeeze %dma_wait3A_183 : memref<1x128xi32, #tpu.memory_space<vmem>> -> memref<128xi32, #tpu.memory_space<vmem>>
    %dma_wait3A_185 = arith.constant 0 : i32
    %dma_wait3A_186 = tpu.memref_slice %arg3[%dma_wait3A_174, %dma_wait3A_185] : memref<2x320000xi32, #tpu.memory_space<hbm>> -> memref<1x128xi32, #tpu.memory_space<hbm>>
    %dma_wait3A_187 = tpu.memref_squeeze %dma_wait3A_186 : memref<1x128xi32, #tpu.memory_space<hbm>> -> memref<128xi32, #tpu.memory_space<hbm>>
    tpu.wait_dma2 semaphore(%arg22 : memref<!tpu.dma_semaphore, #tpu.memory_space<semaphore_mem>>) src(%dma_wait3A_187 : memref<128xi32, #tpu.memory_space<hbm>>) dst(%dma_wait3A_184 : memref<128xi32, #tpu.memory_space<vmem>>)
    %dma_start3A_188 = arith.constant 0 : i32
    %dma_start3A_189 = arith.constant 0 : i32
    %dma_start3A_190 = tpu.memref_slice %arg9[%dma_start3A_188, %dma_start3A_189] : memref<1x128xi32, #tpu.memory_space<vmem>> -> memref<1x128xi32, #tpu.memory_space<vmem>>
    %dma_start3A_191 = tpu.memref_squeeze %dma_start3A_190 : memref<1x128xi32, #tpu.memory_space<vmem>> -> memref<128xi32, #tpu.memory_space<vmem>>
    %dma_start3A_192 = arith.constant 0 : i32
    %dma_start3A_193 = arith.constant 0 : i32
    %dma_start3A_194 = tpu.memref_slice %arg14[%dma_start3A_192, %dma_start3A_193] : memref<10000x128xf32, #tpu.memory_space<vmem_shared>> -> memref<10000x128xf32, #tpu.memory_space<vmem_shared>>
    tpu.enqueue_indirect_dma source(%arg12 : memref<128x128xf32, #tpu.memory_space<vmem>>) target(%dma_start3A_194 : memref<10000x128xf32, #tpu.memory_space<vmem_shared>>) offsets(%dma_start3A_191 : memref<128xi32, #tpu.memory_space<vmem>>) semaphore(%arg25 : memref<!tpu.dma_semaphore, #tpu.memory_space<semaphore_mem>>) {add = true}
    %add3A_195 = arith.constant 512 : i32
    %add3A_196 = arith.addi %mul3A_5, %add3A_195 : i32
    %dma_start3A_197 = arith.constant 0 : i32
    %dma_start3A_198 = tpu.memref_slice %arg3[%dma_start3A_197, %add3A_196] : memref<2x320000xi32, #tpu.memory_space<hbm>> -> memref<1x128xi32, #tpu.memory_space<hbm>>
    %dma_start3A_199 = tpu.memref_squeeze %dma_start3A_198 : memref<1x128xi32, #tpu.memory_space<hbm>> -> memref<128xi32, #tpu.memory_space<hbm>>
    %dma_start3A_200 = tpu.memref_slice %arg3[%dma_start3A_197, %add3A_196] : memref<2x320000xi32, #tpu.memory_space<hbm>> -> memref<1x128xi32, #tpu.memory_space<hbm>>
    %dma_start3A_201 = tpu.memref_squeeze %dma_start3A_200 : memref<1x128xi32, #tpu.memory_space<hbm>> -> memref<128xi32, #tpu.memory_space<hbm>>
    tpu.enqueue_dma source(%dma_start3A_201 : memref<128xi32, #tpu.memory_space<hbm>>) target(%arg6 : memref<128xi32, #tpu.memory_space<vmem>>) target_semaphore(%arg19 : memref<!tpu.dma_semaphore, #tpu.memory_space<semaphore_mem>>)
    %dma_wait3A_202 = arith.constant 0 : i32
    %dma_wait3A_203 = arith.constant 0 : i32
    %dma_wait3A_204 = tpu.memref_slice %arg9[%dma_wait3A_202, %dma_wait3A_203] : memref<1x128xi32, #tpu.memory_space<vmem>> -> memref<1x128xi32, #tpu.memory_space<vmem>>
    %dma_wait3A_205 = tpu.memref_squeeze %dma_wait3A_204 : memref<1x128xi32, #tpu.memory_space<vmem>> -> memref<128xi32, #tpu.memory_space<vmem>>
    %dma_wait3A_206 = arith.constant 0 : i32
    %dma_wait3A_207 = arith.constant 0 : i32
    %dma_wait3A_208 = tpu.memref_slice %arg14[%dma_wait3A_206, %dma_wait3A_207] : memref<10000x128xf32, #tpu.memory_space<vmem_shared>> -> memref<10000x128xf32, #tpu.memory_space<vmem_shared>>
    tpu.wait_indirect_dma semaphore(%arg25 : memref<!tpu.dma_semaphore, #tpu.memory_space<semaphore_mem>>) src(%arg12 : memref<128x128xf32, #tpu.memory_space<vmem>>) dst(%dma_wait3A_208 : memref<10000x128xf32, #tpu.memory_space<vmem_shared>>)
    %dma_wait3A_209 = arith.constant 0 : i32
    %dma_wait3A_210 = arith.constant 0 : i32
    %dma_wait3A_211 = tpu.memref_slice %arg3[%dma_wait3A_209, %dma_wait3A_210] : memref<2x320000xi32, #tpu.memory_space<hbm>> -> memref<1x128xi32, #tpu.memory_space<hbm>>
    %dma_wait3A_212 = tpu.memref_squeeze %dma_wait3A_211 : memref<1x128xi32, #tpu.memory_space<hbm>> -> memref<128xi32, #tpu.memory_space<hbm>>
    %dma_wait3A_213 = arith.constant 0 : i32
    %dma_wait3A_214 = tpu.memref_slice %arg3[%dma_wait3A_209, %dma_wait3A_213] : memref<2x320000xi32, #tpu.memory_space<hbm>> -> memref<1x128xi32, #tpu.memory_space<hbm>>
    %dma_wait3A_215 = tpu.memref_squeeze %dma_wait3A_214 : memref<1x128xi32, #tpu.memory_space<hbm>> -> memref<128xi32, #tpu.memory_space<hbm>>
    tpu.wait_dma2 semaphore(%arg19 : memref<!tpu.dma_semaphore, #tpu.memory_space<semaphore_mem>>) src(%dma_wait3A_215 : memref<128xi32, #tpu.memory_space<hbm>>) dst(%arg6 : memref<128xi32, #tpu.memory_space<vmem>>)
    %dma_start3A_216 = arith.constant 0 : i32
    %dma_start3A_217 = arith.constant 0 : i32
    %dma_start3A_218 = tpu.memref_slice %arg2[%dma_start3A_216, %dma_start3A_217] : memref<10000x128xf32, #tpu.memory_space<hbm>> -> memref<10000x128xf32, #tpu.memory_space<hbm>>
    tpu.enqueue_indirect_dma source(%dma_start3A_218 : memref<10000x128xf32, #tpu.memory_space<hbm>>) target(%arg12 : memref<128x128xf32, #tpu.memory_space<vmem>>) offsets(%arg6 : memref<128xi32, #tpu.memory_space<vmem>>) semaphore(%arg16 : memref<!tpu.dma_semaphore, #tpu.memory_space<semaphore_mem>>)
    %add3A_219 = arith.constant 512 : i32
    %add3A_220 = arith.addi %mul3A_5, %add3A_219 : i32
    %dma_start3A_221 = arith.constant 1 : i32
    %dma_start3A_222 = arith.constant 0 : i32
    %dma_start3A_223 = arith.constant 0 : i32
    %dma_start3A_224 = tpu.memref_slice %arg9[%dma_start3A_222, %dma_start3A_223] : memref<1x128xi32, #tpu.memory_space<vmem>> -> memref<1x128xi32, #tpu.memory_space<vmem>>
    %dma_start3A_225 = tpu.memref_squeeze %dma_start3A_224 : memref<1x128xi32, #tpu.memory_space<vmem>> -> memref<128xi32, #tpu.memory_space<vmem>>
    %dma_start3A_226 = tpu.memref_slice %arg3[%dma_start3A_221, %add3A_220] : memref<2x320000xi32, #tpu.memory_space<hbm>> -> memref<1x128xi32, #tpu.memory_space<hbm>>
    %dma_start3A_227 = tpu.memref_squeeze %dma_start3A_226 : memref<1x128xi32, #tpu.memory_space<hbm>> -> memref<128xi32, #tpu.memory_space<hbm>>
    %dma_start3A_228 = arith.constant 0 : i32
    %dma_start3A_229 = tpu.memref_slice %arg9[%dma_start3A_222, %dma_start3A_228] : memref<1x128xi32, #tpu.memory_space<vmem>> -> memref<1x128xi32, #tpu.memory_space<vmem>>
    %dma_start3A_230 = tpu.memref_squeeze %dma_start3A_229 : memref<1x128xi32, #tpu.memory_space<vmem>> -> memref<128xi32, #tpu.memory_space<vmem>>
    %dma_start3A_231 = tpu.memref_slice %arg3[%dma_start3A_221, %add3A_220] : memref<2x320000xi32, #tpu.memory_space<hbm>> -> memref<1x128xi32, #tpu.memory_space<hbm>>
    %dma_start3A_232 = tpu.memref_squeeze %dma_start3A_231 : memref<1x128xi32, #tpu.memory_space<hbm>> -> memref<128xi32, #tpu.memory_space<hbm>>
    tpu.enqueue_dma source(%dma_start3A_232 : memref<128xi32, #tpu.memory_space<hbm>>) target(%dma_start3A_230 : memref<128xi32, #tpu.memory_space<vmem>>) target_semaphore(%arg22 : memref<!tpu.dma_semaphore, #tpu.memory_space<semaphore_mem>>)
    %dma_wait3A_233 = arith.constant 0 : i32
    %dma_wait3A_234 = arith.constant 0 : i32
    %dma_wait3A_235 = tpu.memref_slice %arg2[%dma_wait3A_233, %dma_wait3A_234] : memref<10000x128xf32, #tpu.memory_space<hbm>> -> memref<128x128xf32, #tpu.memory_space<hbm>>
    %dma_wait3A_236 = arith.constant 0 : i32
    %dma_wait3A_237 = arith.constant 0 : i32
    %dma_wait3A_238 = tpu.memref_slice %arg2[%dma_wait3A_236, %dma_wait3A_237] : memref<10000x128xf32, #tpu.memory_space<hbm>> -> memref<128x128xf32, #tpu.memory_space<hbm>>
    tpu.wait_dma2 semaphore(%arg17 : memref<!tpu.dma_semaphore, #tpu.memory_space<semaphore_mem>>) src(%dma_wait3A_238 : memref<128x128xf32, #tpu.memory_space<hbm>>) dst(%arg13 : memref<128x128xf32, #tpu.memory_space<vmem>>)
    %dma_wait3A_239 = arith.constant 1 : i32
    %dma_wait3A_240 = arith.constant 0 : i32
    %dma_wait3A_241 = arith.constant 0 : i32
    %dma_wait3A_242 = tpu.memref_slice %arg10[%dma_wait3A_240, %dma_wait3A_241] : memref<1x128xi32, #tpu.memory_space<vmem>> -> memref<1x128xi32, #tpu.memory_space<vmem>>
    %dma_wait3A_243 = tpu.memref_squeeze %dma_wait3A_242 : memref<1x128xi32, #tpu.memory_space<vmem>> -> memref<128xi32, #tpu.memory_space<vmem>>
    %dma_wait3A_244 = arith.constant 0 : i32
    %dma_wait3A_245 = tpu.memref_slice %arg3[%dma_wait3A_239, %dma_wait3A_244] : memref<2x320000xi32, #tpu.memory_space<hbm>> -> memref<1x128xi32, #tpu.memory_space<hbm>>
    %dma_wait3A_246 = tpu.memref_squeeze %dma_wait3A_245 : memref<1x128xi32, #tpu.memory_space<hbm>> -> memref<128xi32, #tpu.memory_space<hbm>>
    %dma_wait3A_247 = arith.constant 0 : i32
    %dma_wait3A_248 = tpu.memref_slice %arg10[%dma_wait3A_240, %dma_wait3A_247] : memref<1x128xi32, #tpu.memory_space<vmem>> -> memref<1x128xi32, #tpu.memory_space<vmem>>
    %dma_wait3A_249 = tpu.memref_squeeze %dma_wait3A_248 : memref<1x128xi32, #tpu.memory_space<vmem>> -> memref<128xi32, #tpu.memory_space<vmem>>
    %dma_wait3A_250 = arith.constant 0 : i32
    %dma_wait3A_251 = tpu.memref_slice %arg3[%dma_wait3A_239, %dma_wait3A_250] : memref<2x320000xi32, #tpu.memory_space<hbm>> -> memref<1x128xi32, #tpu.memory_space<hbm>>
    %dma_wait3A_252 = tpu.memref_squeeze %dma_wait3A_251 : memref<1x128xi32, #tpu.memory_space<hbm>> -> memref<128xi32, #tpu.memory_space<hbm>>
    tpu.wait_dma2 semaphore(%arg23 : memref<!tpu.dma_semaphore, #tpu.memory_space<semaphore_mem>>) src(%dma_wait3A_252 : memref<128xi32, #tpu.memory_space<hbm>>) dst(%dma_wait3A_249 : memref<128xi32, #tpu.memory_space<vmem>>)
    %dma_start3A_253 = arith.constant 0 : i32
    %dma_start3A_254 = arith.constant 0 : i32
    %dma_start3A_255 = tpu.memref_slice %arg10[%dma_start3A_253, %dma_start3A_254] : memref<1x128xi32, #tpu.memory_space<vmem>> -> memref<1x128xi32, #tpu.memory_space<vmem>>
    %dma_start3A_256 = tpu.memref_squeeze %dma_start3A_255 : memref<1x128xi32, #tpu.memory_space<vmem>> -> memref<128xi32, #tpu.memory_space<vmem>>
    %dma_start3A_257 = arith.constant 0 : i32
    %dma_start3A_258 = arith.constant 0 : i32
    %dma_start3A_259 = tpu.memref_slice %arg14[%dma_start3A_257, %dma_start3A_258] : memref<10000x128xf32, #tpu.memory_space<vmem_shared>> -> memref<10000x128xf32, #tpu.memory_space<vmem_shared>>
    tpu.enqueue_indirect_dma source(%arg13 : memref<128x128xf32, #tpu.memory_space<vmem>>) target(%dma_start3A_259 : memref<10000x128xf32, #tpu.memory_space<vmem_shared>>) offsets(%dma_start3A_256 : memref<128xi32, #tpu.memory_space<vmem>>) semaphore(%arg26 : memref<!tpu.dma_semaphore, #tpu.memory_space<semaphore_mem>>) {add = true}
    %add3A_260 = arith.constant 640 : i32
    %add3A_261 = arith.addi %mul3A_5, %add3A_260 : i32
    %dma_start3A_262 = arith.constant 0 : i32
    %dma_start3A_263 = tpu.memref_slice %arg3[%dma_start3A_262, %add3A_261] : memref<2x320000xi32, #tpu.memory_space<hbm>> -> memref<1x128xi32, #tpu.memory_space<hbm>>
    %dma_start3A_264 = tpu.memref_squeeze %dma_start3A_263 : memref<1x128xi32, #tpu.memory_space<hbm>> -> memref<128xi32, #tpu.memory_space<hbm>>
    %dma_start3A_265 = tpu.memref_slice %arg3[%dma_start3A_262, %add3A_261] : memref<2x320000xi32, #tpu.memory_space<hbm>> -> memref<1x128xi32, #tpu.memory_space<hbm>>
    %dma_start3A_266 = tpu.memref_squeeze %dma_start3A_265 : memref<1x128xi32, #tpu.memory_space<hbm>> -> memref<128xi32, #tpu.memory_space<hbm>>
    tpu.enqueue_dma source(%dma_start3A_266 : memref<128xi32, #tpu.memory_space<hbm>>) target(%arg7 : memref<128xi32, #tpu.memory_space<vmem>>) target_semaphore(%arg20 : memref<!tpu.dma_semaphore, #tpu.memory_space<semaphore_mem>>)
    %scan3A_267 = arith.constant 0 : i32
    %scan3A_268 = arith.constant 0 : i32
    %scan3A_269 = arith.constant 24 : i32
    %scan3A_270 = arith.addi %scan3A_268, %scan3A_269 : i32
    %scan3A_271 = arith.constant 1 : i32
    scf.for %scan3A_510 = %scan3A_268 to %scan3A_270 step %scan3A_271  : i32 {
      %mul3A_511 = arith.constant 3 : i32
      %mul3A_512 = arith.muli %scan3A_510, %mul3A_511 : i32
      %add3A_513 = arith.constant 3 : i32
      %add3A_514 = arith.addi %mul3A_512, %add3A_513 : i32
      %dma_wait3A_515 = arith.constant 0 : i32
      %dma_wait3A_516 = arith.constant 0 : i32
      %dma_wait3A_517 = tpu.memref_slice %arg10[%dma_wait3A_515, %dma_wait3A_516] : memref<1x128xi32, #tpu.memory_space<vmem>> -> memref<1x128xi32, #tpu.memory_space<vmem>>
      %dma_wait3A_518 = tpu.memref_squeeze %dma_wait3A_517 : memref<1x128xi32, #tpu.memory_space<vmem>> -> memref<128xi32, #tpu.memory_space<vmem>>
      %dma_wait3A_519 = arith.constant 0 : i32
      %dma_wait3A_520 = arith.constant 0 : i32
      %dma_wait3A_521 = tpu.memref_slice %arg14[%dma_wait3A_519, %dma_wait3A_520] : memref<10000x128xf32, #tpu.memory_space<vmem_shared>> -> memref<10000x128xf32, #tpu.memory_space<vmem_shared>>
      tpu.wait_indirect_dma semaphore(%arg26 : memref<!tpu.dma_semaphore, #tpu.memory_space<semaphore_mem>>) src(%arg13 : memref<128x128xf32, #tpu.memory_space<vmem>>) dst(%dma_wait3A_521 : memref<10000x128xf32, #tpu.memory_space<vmem_shared>>)
      %dma_wait3A_522 = arith.constant 0 : i32
      %dma_wait3A_523 = arith.constant 0 : i32
      %dma_wait3A_524 = tpu.memref_slice %arg3[%dma_wait3A_522, %dma_wait3A_523] : memref<2x320000xi32, #tpu.memory_space<hbm>> -> memref<1x128xi32, #tpu.memory_space<hbm>>
      %dma_wait3A_525 = tpu.memref_squeeze %dma_wait3A_524 : memref<1x128xi32, #tpu.memory_space<hbm>> -> memref<128xi32, #tpu.memory_space<hbm>>
      %dma_wait3A_526 = arith.constant 0 : i32
      %dma_wait3A_527 = tpu.memref_slice %arg3[%dma_wait3A_522, %dma_wait3A_526] : memref<2x320000xi32, #tpu.memory_space<hbm>> -> memref<1x128xi32, #tpu.memory_space<hbm>>
      %dma_wait3A_528 = tpu.memref_squeeze %dma_wait3A_527 : memref<1x128xi32, #tpu.memory_space<hbm>> -> memref<128xi32, #tpu.memory_space<hbm>>
      tpu.wait_dma2 semaphore(%arg20 : memref<!tpu.dma_semaphore, #tpu.memory_space<semaphore_mem>>) src(%dma_wait3A_528 : memref<128xi32, #tpu.memory_space<hbm>>) dst(%arg7 : memref<128xi32, #tpu.memory_space<vmem>>)
      %dma_start3A_529 = arith.constant 0 : i32
      %dma_start3A_530 = arith.constant 0 : i32
      %dma_start3A_531 = tpu.memref_slice %arg2[%dma_start3A_529, %dma_start3A_530] : memref<10000x128xf32, #tpu.memory_space<hbm>> -> memref<10000x128xf32, #tpu.memory_space<hbm>>
      tpu.enqueue_indirect_dma source(%dma_start3A_531 : memref<10000x128xf32, #tpu.memory_space<hbm>>) target(%arg13 : memref<128x128xf32, #tpu.memory_space<vmem>>) offsets(%arg7 : memref<128xi32, #tpu.memory_space<vmem>>) semaphore(%arg17 : memref<!tpu.dma_semaphore, #tpu.memory_space<semaphore_mem>>)
      %add3A_532 = arith.constant 2 : i32
      %add3A_533 = arith.addi %add3A_514, %add3A_532 : i32
      %mul3A_534 = arith.constant 128 : i32
      %mul3A_535 = arith.muli %add3A_533, %mul3A_534 : i32
      %add3A_536 = arith.addi %mul3A_5, %mul3A_535 : i32
      %dma_start3A_537 = arith.constant 1 : i32
      %dma_start3A_538 = arith.constant 0 : i32
      %dma_start3A_539 = arith.constant 0 : i32
      %dma_start3A_540 = tpu.memref_slice %arg10[%dma_start3A_538, %dma_start3A_539] : memref<1x128xi32, #tpu.memory_space<vmem>> -> memref<1x128xi32, #tpu.memory_space<vmem>>
      %dma_start3A_541 = tpu.memref_squeeze %dma_start3A_540 : memref<1x128xi32, #tpu.memory_space<vmem>> -> memref<128xi32, #tpu.memory_space<vmem>>
      %dma_start3A_542 = tpu.memref_slice %arg3[%dma_start3A_537, %add3A_536] : memref<2x320000xi32, #tpu.memory_space<hbm>> -> memref<1x128xi32, #tpu.memory_space<hbm>>
      %dma_start3A_543 = tpu.memref_squeeze %dma_start3A_542 : memref<1x128xi32, #tpu.memory_space<hbm>> -> memref<128xi32, #tpu.memory_space<hbm>>
      %dma_start3A_544 = arith.constant 0 : i32
      %dma_start3A_545 = tpu.memref_slice %arg10[%dma_start3A_538, %dma_start3A_544] : memref<1x128xi32, #tpu.memory_space<vmem>> -> memref<1x128xi32, #tpu.memory_space<vmem>>
      %dma_start3A_546 = tpu.memref_squeeze %dma_start3A_545 : memref<1x128xi32, #tpu.memory_space<vmem>> -> memref<128xi32, #tpu.memory_space<vmem>>
      %dma_start3A_547 = tpu.memref_slice %arg3[%dma_start3A_537, %add3A_536] : memref<2x320000xi32, #tpu.memory_space<hbm>> -> memref<1x128xi32, #tpu.memory_space<hbm>>
      %dma_start3A_548 = tpu.memref_squeeze %dma_start3A_547 : memref<1x128xi32, #tpu.memory_space<hbm>> -> memref<128xi32, #tpu.memory_space<hbm>>
      tpu.enqueue_dma source(%dma_start3A_548 : memref<128xi32, #tpu.memory_space<hbm>>) target(%dma_start3A_546 : memref<128xi32, #tpu.memory_space<vmem>>) target_semaphore(%arg23 : memref<!tpu.dma_semaphore, #tpu.memory_space<semaphore_mem>>)
      %dma_wait3A_549 = arith.constant 0 : i32
      %dma_wait3A_550 = arith.constant 0 : i32
      %dma_wait3A_551 = tpu.memref_slice %arg2[%dma_wait3A_549, %dma_wait3A_550] : memref<10000x128xf32, #tpu.memory_space<hbm>> -> memref<128x128xf32, #tpu.memory_space<hbm>>
      %dma_wait3A_552 = arith.constant 0 : i32
      %dma_wait3A_553 = arith.constant 0 : i32
      %dma_wait3A_554 = tpu.memref_slice %arg2[%dma_wait3A_552, %dma_wait3A_553] : memref<10000x128xf32, #tpu.memory_space<hbm>> -> memref<128x128xf32, #tpu.memory_space<hbm>>
      tpu.wait_dma2 semaphore(%arg15 : memref<!tpu.dma_semaphore, #tpu.memory_space<semaphore_mem>>) src(%dma_wait3A_554 : memref<128x128xf32, #tpu.memory_space<hbm>>) dst(%arg11 : memref<128x128xf32, #tpu.memory_space<vmem>>)
      %dma_wait3A_555 = arith.constant 1 : i32
      %dma_wait3A_556 = arith.constant 0 : i32
      %dma_wait3A_557 = arith.constant 0 : i32
      %dma_wait3A_558 = tpu.memref_slice %arg8[%dma_wait3A_556, %dma_wait3A_557] : memref<1x128xi32, #tpu.memory_space<vmem>> -> memref<1x128xi32, #tpu.memory_space<vmem>>
      %dma_wait3A_559 = tpu.memref_squeeze %dma_wait3A_558 : memref<1x128xi32, #tpu.memory_space<vmem>> -> memref<128xi32, #tpu.memory_space<vmem>>
      %dma_wait3A_560 = arith.constant 0 : i32
      %dma_wait3A_561 = tpu.memref_slice %arg3[%dma_wait3A_555, %dma_wait3A_560] : memref<2x320000xi32, #tpu.memory_space<hbm>> -> memref<1x128xi32, #tpu.memory_space<hbm>>
      %dma_wait3A_562 = tpu.memref_squeeze %dma_wait3A_561 : memref<1x128xi32, #tpu.memory_space<hbm>> -> memref<128xi32, #tpu.memory_space<hbm>>
      %dma_wait3A_563 = arith.constant 0 : i32
      %dma_wait3A_564 = tpu.memref_slice %arg8[%dma_wait3A_556, %dma_wait3A_563] : memref<1x128xi32, #tpu.memory_space<vmem>> -> memref<1x128xi32, #tpu.memory_space<vmem>>
      %dma_wait3A_565 = tpu.memref_squeeze %dma_wait3A_564 : memref<1x128xi32, #tpu.memory_space<vmem>> -> memref<128xi32, #tpu.memory_space<vmem>>
      %dma_wait3A_566 = arith.constant 0 : i32
      %dma_wait3A_567 = tpu.memref_slice %arg3[%dma_wait3A_555, %dma_wait3A_566] : memref<2x320000xi32, #tpu.memory_space<hbm>> -> memref<1x128xi32, #tpu.memory_space<hbm>>
      %dma_wait3A_568 = tpu.memref_squeeze %dma_wait3A_567 : memref<1x128xi32, #tpu.memory_space<hbm>> -> memref<128xi32, #tpu.memory_space<hbm>>
      tpu.wait_dma2 semaphore(%arg21 : memref<!tpu.dma_semaphore, #tpu.memory_space<semaphore_mem>>) src(%dma_wait3A_568 : memref<128xi32, #tpu.memory_space<hbm>>) dst(%dma_wait3A_565 : memref<128xi32, #tpu.memory_space<vmem>>)
      %dma_start3A_569 = arith.constant 0 : i32
      %dma_start3A_570 = arith.constant 0 : i32
      %dma_start3A_571 = tpu.memref_slice %arg8[%dma_start3A_569, %dma_start3A_570] : memref<1x128xi32, #tpu.memory_space<vmem>> -> memref<1x128xi32, #tpu.memory_space<vmem>>
      %dma_start3A_572 = tpu.memref_squeeze %dma_start3A_571 : memref<1x128xi32, #tpu.memory_space<vmem>> -> memref<128xi32, #tpu.memory_space<vmem>>
      %dma_start3A_573 = arith.constant 0 : i32
      %dma_start3A_574 = arith.constant 0 : i32
      %dma_start3A_575 = tpu.memref_slice %arg14[%dma_start3A_573, %dma_start3A_574] : memref<10000x128xf32, #tpu.memory_space<vmem_shared>> -> memref<10000x128xf32, #tpu.memory_space<vmem_shared>>
      tpu.enqueue_indirect_dma source(%arg11 : memref<128x128xf32, #tpu.memory_space<vmem>>) target(%dma_start3A_575 : memref<10000x128xf32, #tpu.memory_space<vmem_shared>>) offsets(%dma_start3A_572 : memref<128xi32, #tpu.memory_space<vmem>>) semaphore(%arg24 : memref<!tpu.dma_semaphore, #tpu.memory_space<semaphore_mem>>) {add = true}
      %add3A_576 = arith.constant 3 : i32
      %add3A_577 = arith.addi %add3A_514, %add3A_576 : i32
      %mul3A_578 = arith.constant 128 : i32
      %mul3A_579 = arith.muli %add3A_577, %mul3A_578 : i32
      %add3A_580 = arith.addi %mul3A_5, %mul3A_579 : i32
      %dma_start3A_581 = arith.constant 0 : i32
      %dma_start3A_582 = tpu.memref_slice %arg3[%dma_start3A_581, %add3A_580] : memref<2x320000xi32, #tpu.memory_space<hbm>> -> memref<1x128xi32, #tpu.memory_space<hbm>>
      %dma_start3A_583 = tpu.memref_squeeze %dma_start3A_582 : memref<1x128xi32, #tpu.memory_space<hbm>> -> memref<128xi32, #tpu.memory_space<hbm>>
      %dma_start3A_584 = tpu.memref_slice %arg3[%dma_start3A_581, %add3A_580] : memref<2x320000xi32, #tpu.memory_space<hbm>> -> memref<1x128xi32, #tpu.memory_space<hbm>>
      %dma_start3A_585 = tpu.memref_squeeze %dma_start3A_584 : memref<1x128xi32, #tpu.memory_space<hbm>> -> memref<128xi32, #tpu.memory_space<hbm>>
      tpu.enqueue_dma source(%dma_start3A_585 : memref<128xi32, #tpu.memory_space<hbm>>) target(%arg5 : memref<128xi32, #tpu.memory_space<vmem>>) target_semaphore(%arg18 : memref<!tpu.dma_semaphore, #tpu.memory_space<semaphore_mem>>)
      %add3A_586 = arith.constant 1 : i32
      %add3A_587 = arith.addi %add3A_514, %add3A_586 : i32
      %dma_wait3A_588 = arith.constant 0 : i32
      %dma_wait3A_589 = arith.constant 0 : i32
      %dma_wait3A_590 = tpu.memref_slice %arg8[%dma_wait3A_588, %dma_wait3A_589] : memref<1x128xi32, #tpu.memory_space<vmem>> -> memref<1x128xi32, #tpu.memory_space<vmem>>
      %dma_wait3A_591 = tpu.memref_squeeze %dma_wait3A_590 : memref<1x128xi32, #tpu.memory_space<vmem>> -> memref<128xi32, #tpu.memory_space<vmem>>
      %dma_wait3A_592 = arith.constant 0 : i32
      %dma_wait3A_593 = arith.constant 0 : i32
      %dma_wait3A_594 = tpu.memref_slice %arg14[%dma_wait3A_592, %dma_wait3A_593] : memref<10000x128xf32, #tpu.memory_space<vmem_shared>> -> memref<10000x128xf32, #tpu.memory_space<vmem_shared>>
      tpu.wait_indirect_dma semaphore(%arg24 : memref<!tpu.dma_semaphore, #tpu.memory_space<semaphore_mem>>) src(%arg11 : memref<128x128xf32, #tpu.memory_space<vmem>>) dst(%dma_wait3A_594 : memref<10000x128xf32, #tpu.memory_space<vmem_shared>>)
      %dma_wait3A_595 = arith.constant 0 : i32
      %dma_wait3A_596 = arith.constant 0 : i32
      %dma_wait3A_597 = tpu.memref_slice %arg3[%dma_wait3A_595, %dma_wait3A_596] : memref<2x320000xi32, #tpu.memory_space<hbm>> -> memref<1x128xi32, #tpu.memory_space<hbm>>
      %dma_wait3A_598 = tpu.memref_squeeze %dma_wait3A_597 : memref<1x128xi32, #tpu.memory_space<hbm>> -> memref<128xi32, #tpu.memory_space<hbm>>
      %dma_wait3A_599 = arith.constant 0 : i32
      %dma_wait3A_600 = tpu.memref_slice %arg3[%dma_wait3A_595, %dma_wait3A_599] : memref<2x320000xi32, #tpu.memory_space<hbm>> -> memref<1x128xi32, #tpu.memory_space<hbm>>
      %dma_wait3A_601 = tpu.memref_squeeze %dma_wait3A_600 : memref<1x128xi32, #tpu.memory_space<hbm>> -> memref<128xi32, #tpu.memory_space<hbm>>
      tpu.wait_dma2 semaphore(%arg18 : memref<!tpu.dma_semaphore, #tpu.memory_space<semaphore_mem>>) src(%dma_wait3A_601 : memref<128xi32, #tpu.memory_space<hbm>>) dst(%arg5 : memref<128xi32, #tpu.memory_space<vmem>>)
      %dma_start3A_602 = arith.constant 0 : i32
      %dma_start3A_603 = arith.constant 0 : i32
      %dma_start3A_604 = tpu.memref_slice %arg2[%dma_start3A_602, %dma_start3A_603] : memref<10000x128xf32, #tpu.memory_space<hbm>> -> memref<10000x128xf32, #tpu.memory_space<hbm>>
      tpu.enqueue_indirect_dma source(%dma_start3A_604 : memref<10000x128xf32, #tpu.memory_space<hbm>>) target(%arg11 : memref<128x128xf32, #tpu.memory_space<vmem>>) offsets(%arg5 : memref<128xi32, #tpu.memory_space<vmem>>) semaphore(%arg15 : memref<!tpu.dma_semaphore, #tpu.memory_space<semaphore_mem>>)
      %add3A_605 = arith.constant 2 : i32
      %add3A_606 = arith.addi %add3A_587, %add3A_605 : i32
      %mul3A_607 = arith.constant 128 : i32
      %mul3A_608 = arith.muli %add3A_606, %mul3A_607 : i32
      %add3A_609 = arith.addi %mul3A_5, %mul3A_608 : i32
      %dma_start3A_610 = arith.constant 1 : i32
      %dma_start3A_611 = arith.constant 0 : i32
      %dma_start3A_612 = arith.constant 0 : i32
      %dma_start3A_613 = tpu.memref_slice %arg8[%dma_start3A_611, %dma_start3A_612] : memref<1x128xi32, #tpu.memory_space<vmem>> -> memref<1x128xi32, #tpu.memory_space<vmem>>
      %dma_start3A_614 = tpu.memref_squeeze %dma_start3A_613 : memref<1x128xi32, #tpu.memory_space<vmem>> -> memref<128xi32, #tpu.memory_space<vmem>>
      %dma_start3A_615 = tpu.memref_slice %arg3[%dma_start3A_610, %add3A_609] : memref<2x320000xi32, #tpu.memory_space<hbm>> -> memref<1x128xi32, #tpu.memory_space<hbm>>
      %dma_start3A_616 = tpu.memref_squeeze %dma_start3A_615 : memref<1x128xi32, #tpu.memory_space<hbm>> -> memref<128xi32, #tpu.memory_space<hbm>>
      %dma_start3A_617 = arith.constant 0 : i32
      %dma_start3A_618 = tpu.memref_slice %arg8[%dma_start3A_611, %dma_start3A_617] : memref<1x128xi32, #tpu.memory_space<vmem>> -> memref<1x128xi32, #tpu.memory_space<vmem>>
      %dma_start3A_619 = tpu.memref_squeeze %dma_start3A_618 : memref<1x128xi32, #tpu.memory_space<vmem>> -> memref<128xi32, #tpu.memory_space<vmem>>
      %dma_start3A_620 = tpu.memref_slice %arg3[%dma_start3A_610, %add3A_609] : memref<2x320000xi32, #tpu.memory_space<hbm>> -> memref<1x128xi32, #tpu.memory_space<hbm>>
      %dma_start3A_621 = tpu.memref_squeeze %dma_start3A_620 : memref<1x128xi32, #tpu.memory_space<hbm>> -> memref<128xi32, #tpu.memory_space<hbm>>
      tpu.enqueue_dma source(%dma_start3A_621 : memref<128xi32, #tpu.memory_space<hbm>>) target(%dma_start3A_619 : memref<128xi32, #tpu.memory_space<vmem>>) target_semaphore(%arg21 : memref<!tpu.dma_semaphore, #tpu.memory_space<semaphore_mem>>)
      %dma_wait3A_622 = arith.constant 0 : i32
      %dma_wait3A_623 = arith.constant 0 : i32
      %dma_wait3A_624 = tpu.memref_slice %arg2[%dma_wait3A_622, %dma_wait3A_623] : memref<10000x128xf32, #tpu.memory_space<hbm>> -> memref<128x128xf32, #tpu.memory_space<hbm>>
      %dma_wait3A_625 = arith.constant 0 : i32
      %dma_wait3A_626 = arith.constant 0 : i32
      %dma_wait3A_627 = tpu.memref_slice %arg2[%dma_wait3A_625, %dma_wait3A_626] : memref<10000x128xf32, #tpu.memory_space<hbm>> -> memref<128x128xf32, #tpu.memory_space<hbm>>
      tpu.wait_dma2 semaphore(%arg16 : memref<!tpu.dma_semaphore, #tpu.memory_space<semaphore_mem>>) src(%dma_wait3A_627 : memref<128x128xf32, #tpu.memory_space<hbm>>) dst(%arg12 : memref<128x128xf32, #tpu.memory_space<vmem>>)
      %dma_wait3A_628 = arith.constant 1 : i32
      %dma_wait3A_629 = arith.constant 0 : i32
      %dma_wait3A_630 = arith.constant 0 : i32
      %dma_wait3A_631 = tpu.memref_slice %arg9[%dma_wait3A_629, %dma_wait3A_630] : memref<1x128xi32, #tpu.memory_space<vmem>> -> memref<1x128xi32, #tpu.memory_space<vmem>>
      %dma_wait3A_632 = tpu.memref_squeeze %dma_wait3A_631 : memref<1x128xi32, #tpu.memory_space<vmem>> -> memref<128xi32, #tpu.memory_space<vmem>>
      %dma_wait3A_633 = arith.constant 0 : i32
      %dma_wait3A_634 = tpu.memref_slice %arg3[%dma_wait3A_628, %dma_wait3A_633] : memref<2x320000xi32, #tpu.memory_space<hbm>> -> memref<1x128xi32, #tpu.memory_space<hbm>>
      %dma_wait3A_635 = tpu.memref_squeeze %dma_wait3A_634 : memref<1x128xi32, #tpu.memory_space<hbm>> -> memref<128xi32, #tpu.memory_space<hbm>>
      %dma_wait3A_636 = arith.constant 0 : i32
      %dma_wait3A_637 = tpu.memref_slice %arg9[%dma_wait3A_629, %dma_wait3A_636] : memref<1x128xi32, #tpu.memory_space<vmem>> -> memref<1x128xi32, #tpu.memory_space<vmem>>
      %dma_wait3A_638 = tpu.memref_squeeze %dma_wait3A_637 : memref<1x128xi32, #tpu.memory_space<vmem>> -> memref<128xi32, #tpu.memory_space<vmem>>
      %dma_wait3A_639 = arith.constant 0 : i32
      %dma_wait3A_640 = tpu.memref_slice %arg3[%dma_wait3A_628, %dma_wait3A_639] : memref<2x320000xi32, #tpu.memory_space<hbm>> -> memref<1x128xi32, #tpu.memory_space<hbm>>
      %dma_wait3A_641 = tpu.memref_squeeze %dma_wait3A_640 : memref<1x128xi32, #tpu.memory_space<hbm>> -> memref<128xi32, #tpu.memory_space<hbm>>
      tpu.wait_dma2 semaphore(%arg22 : memref<!tpu.dma_semaphore, #tpu.memory_space<semaphore_mem>>) src(%dma_wait3A_641 : memref<128xi32, #tpu.memory_space<hbm>>) dst(%dma_wait3A_638 : memref<128xi32, #tpu.memory_space<vmem>>)
      %dma_start3A_642 = arith.constant 0 : i32
      %dma_start3A_643 = arith.constant 0 : i32
      %dma_start3A_644 = tpu.memref_slice %arg9[%dma_start3A_642, %dma_start3A_643] : memref<1x128xi32, #tpu.memory_space<vmem>> -> memref<1x128xi32, #tpu.memory_space<vmem>>
      %dma_start3A_645 = tpu.memref_squeeze %dma_start3A_644 : memref<1x128xi32, #tpu.memory_space<vmem>> -> memref<128xi32, #tpu.memory_space<vmem>>
      %dma_start3A_646 = arith.constant 0 : i32
      %dma_start3A_647 = arith.constant 0 : i32
      %dma_start3A_648 = tpu.memref_slice %arg14[%dma_start3A_646, %dma_start3A_647] : memref<10000x128xf32, #tpu.memory_space<vmem_shared>> -> memref<10000x128xf32, #tpu.memory_space<vmem_shared>>
      tpu.enqueue_indirect_dma source(%arg12 : memref<128x128xf32, #tpu.memory_space<vmem>>) target(%dma_start3A_648 : memref<10000x128xf32, #tpu.memory_space<vmem_shared>>) offsets(%dma_start3A_645 : memref<128xi32, #tpu.memory_space<vmem>>) semaphore(%arg25 : memref<!tpu.dma_semaphore, #tpu.memory_space<semaphore_mem>>) {add = true}
      %add3A_649 = arith.constant 3 : i32
      %add3A_650 = arith.addi %add3A_587, %add3A_649 : i32
      %mul3A_651 = arith.constant 128 : i32
      %mul3A_652 = arith.muli %add3A_650, %mul3A_651 : i32
      %add3A_653 = arith.addi %mul3A_5, %mul3A_652 : i32
      %dma_start3A_654 = arith.constant 0 : i32
      %dma_start3A_655 = tpu.memref_slice %arg3[%dma_start3A_654, %add3A_653] : memref<2x320000xi32, #tpu.memory_space<hbm>> -> memref<1x128xi32, #tpu.memory_space<hbm>>
      %dma_start3A_656 = tpu.memref_squeeze %dma_start3A_655 : memref<1x128xi32, #tpu.memory_space<hbm>> -> memref<128xi32, #tpu.memory_space<hbm>>
      %dma_start3A_657 = tpu.memref_slice %arg3[%dma_start3A_654, %add3A_653] : memref<2x320000xi32, #tpu.memory_space<hbm>> -> memref<1x128xi32, #tpu.memory_space<hbm>>
      %dma_start3A_658 = tpu.memref_squeeze %dma_start3A_657 : memref<1x128xi32, #tpu.memory_space<hbm>> -> memref<128xi32, #tpu.memory_space<hbm>>
      tpu.enqueue_dma source(%dma_start3A_658 : memref<128xi32, #tpu.memory_space<hbm>>) target(%arg6 : memref<128xi32, #tpu.memory_space<vmem>>) target_semaphore(%arg19 : memref<!tpu.dma_semaphore, #tpu.memory_space<semaphore_mem>>)
      %add3A_659 = arith.constant 2 : i32
      %add3A_660 = arith.addi %add3A_514, %add3A_659 : i32
      %dma_wait3A_661 = arith.constant 0 : i32
      %dma_wait3A_662 = arith.constant 0 : i32
      %dma_wait3A_663 = tpu.memref_slice %arg9[%dma_wait3A_661, %dma_wait3A_662] : memref<1x128xi32, #tpu.memory_space<vmem>> -> memref<1x128xi32, #tpu.memory_space<vmem>>
      %dma_wait3A_664 = tpu.memref_squeeze %dma_wait3A_663 : memref<1x128xi32, #tpu.memory_space<vmem>> -> memref<128xi32, #tpu.memory_space<vmem>>
      %dma_wait3A_665 = arith.constant 0 : i32
      %dma_wait3A_666 = arith.constant 0 : i32
      %dma_wait3A_667 = tpu.memref_slice %arg14[%dma_wait3A_665, %dma_wait3A_666] : memref<10000x128xf32, #tpu.memory_space<vmem_shared>> -> memref<10000x128xf32, #tpu.memory_space<vmem_shared>>
      tpu.wait_indirect_dma semaphore(%arg25 : memref<!tpu.dma_semaphore, #tpu.memory_space<semaphore_mem>>) src(%arg12 : memref<128x128xf32, #tpu.memory_space<vmem>>) dst(%dma_wait3A_667 : memref<10000x128xf32, #tpu.memory_space<vmem_shared>>)
      %dma_wait3A_668 = arith.constant 0 : i32
      %dma_wait3A_669 = arith.constant 0 : i32
      %dma_wait3A_670 = tpu.memref_slice %arg3[%dma_wait3A_668, %dma_wait3A_669] : memref<2x320000xi32, #tpu.memory_space<hbm>> -> memref<1x128xi32, #tpu.memory_space<hbm>>
      %dma_wait3A_671 = tpu.memref_squeeze %dma_wait3A_670 : memref<1x128xi32, #tpu.memory_space<hbm>> -> memref<128xi32, #tpu.memory_space<hbm>>
      %dma_wait3A_672 = arith.constant 0 : i32
      %dma_wait3A_673 = tpu.memref_slice %arg3[%dma_wait3A_668, %dma_wait3A_672] : memref<2x320000xi32, #tpu.memory_space<hbm>> -> memref<1x128xi32, #tpu.memory_space<hbm>>
      %dma_wait3A_674 = tpu.memref_squeeze %dma_wait3A_673 : memref<1x128xi32, #tpu.memory_space<hbm>> -> memref<128xi32, #tpu.memory_space<hbm>>
      tpu.wait_dma2 semaphore(%arg19 : memref<!tpu.dma_semaphore, #tpu.memory_space<semaphore_mem>>) src(%dma_wait3A_674 : memref<128xi32, #tpu.memory_space<hbm>>) dst(%arg6 : memref<128xi32, #tpu.memory_space<vmem>>)
      %dma_start3A_675 = arith.constant 0 : i32
      %dma_start3A_676 = arith.constant 0 : i32
      %dma_start3A_677 = tpu.memref_slice %arg2[%dma_start3A_675, %dma_start3A_676] : memref<10000x128xf32, #tpu.memory_space<hbm>> -> memref<10000x128xf32, #tpu.memory_space<hbm>>
      tpu.enqueue_indirect_dma source(%dma_start3A_677 : memref<10000x128xf32, #tpu.memory_space<hbm>>) target(%arg12 : memref<128x128xf32, #tpu.memory_space<vmem>>) offsets(%arg6 : memref<128xi32, #tpu.memory_space<vmem>>) semaphore(%arg16 : memref<!tpu.dma_semaphore, #tpu.memory_space<semaphore_mem>>)
      %add3A_678 = arith.constant 2 : i32
      %add3A_679 = arith.addi %add3A_660, %add3A_678 : i32
      %mul3A_680 = arith.constant 128 : i32
      %mul3A_681 = arith.muli %add3A_679, %mul3A_680 : i32
      %add3A_682 = arith.addi %mul3A_5, %mul3A_681 : i32
      %dma_start3A_683 = arith.constant 1 : i32
      %dma_start3A_684 = arith.constant 0 : i32
      %dma_start3A_685 = arith.constant 0 : i32
      %dma_start3A_686 = tpu.memref_slice %arg9[%dma_start3A_684, %dma_start3A_685] : memref<1x128xi32, #tpu.memory_space<vmem>> -> memref<1x128xi32, #tpu.memory_space<vmem>>
      %dma_start3A_687 = tpu.memref_squeeze %dma_start3A_686 : memref<1x128xi32, #tpu.memory_space<vmem>> -> memref<128xi32, #tpu.memory_space<vmem>>
      %dma_start3A_688 = tpu.memref_slice %arg3[%dma_start3A_683, %add3A_682] : memref<2x320000xi32, #tpu.memory_space<hbm>> -> memref<1x128xi32, #tpu.memory_space<hbm>>
      %dma_start3A_689 = tpu.memref_squeeze %dma_start3A_688 : memref<1x128xi32, #tpu.memory_space<hbm>> -> memref<128xi32, #tpu.memory_space<hbm>>
      %dma_start3A_690 = arith.constant 0 : i32
      %dma_start3A_691 = tpu.memref_slice %arg9[%dma_start3A_684, %dma_start3A_690] : memref<1x128xi32, #tpu.memory_space<vmem>> -> memref<1x128xi32, #tpu.memory_space<vmem>>
      %dma_start3A_692 = tpu.memref_squeeze %dma_start3A_691 : memref<1x128xi32, #tpu.memory_space<vmem>> -> memref<128xi32, #tpu.memory_space<vmem>>
      %dma_start3A_693 = tpu.memref_slice %arg3[%dma_start3A_683, %add3A_682] : memref<2x320000xi32, #tpu.memory_space<hbm>> -> memref<1x128xi32, #tpu.memory_space<hbm>>
      %dma_start3A_694 = tpu.memref_squeeze %dma_start3A_693 : memref<1x128xi32, #tpu.memory_space<hbm>> -> memref<128xi32, #tpu.memory_space<hbm>>
      tpu.enqueue_dma source(%dma_start3A_694 : memref<128xi32, #tpu.memory_space<hbm>>) target(%dma_start3A_692 : memref<128xi32, #tpu.memory_space<vmem>>) target_semaphore(%arg22 : memref<!tpu.dma_semaphore, #tpu.memory_space<semaphore_mem>>)
      %dma_wait3A_695 = arith.constant 0 : i32
      %dma_wait3A_696 = arith.constant 0 : i32
      %dma_wait3A_697 = tpu.memref_slice %arg2[%dma_wait3A_695, %dma_wait3A_696] : memref<10000x128xf32, #tpu.memory_space<hbm>> -> memref<128x128xf32, #tpu.memory_space<hbm>>
      %dma_wait3A_698 = arith.constant 0 : i32
      %dma_wait3A_699 = arith.constant 0 : i32
      %dma_wait3A_700 = tpu.memref_slice %arg2[%dma_wait3A_698, %dma_wait3A_699] : memref<10000x128xf32, #tpu.memory_space<hbm>> -> memref<128x128xf32, #tpu.memory_space<hbm>>
      tpu.wait_dma2 semaphore(%arg17 : memref<!tpu.dma_semaphore, #tpu.memory_space<semaphore_mem>>) src(%dma_wait3A_700 : memref<128x128xf32, #tpu.memory_space<hbm>>) dst(%arg13 : memref<128x128xf32, #tpu.memory_space<vmem>>)
      %dma_wait3A_701 = arith.constant 1 : i32
      %dma_wait3A_702 = arith.constant 0 : i32
      %dma_wait3A_703 = arith.constant 0 : i32
      %dma_wait3A_704 = tpu.memref_slice %arg10[%dma_wait3A_702, %dma_wait3A_703] : memref<1x128xi32, #tpu.memory_space<vmem>> -> memref<1x128xi32, #tpu.memory_space<vmem>>
      %dma_wait3A_705 = tpu.memref_squeeze %dma_wait3A_704 : memref<1x128xi32, #tpu.memory_space<vmem>> -> memref<128xi32, #tpu.memory_space<vmem>>
      %dma_wait3A_706 = arith.constant 0 : i32
      %dma_wait3A_707 = tpu.memref_slice %arg3[%dma_wait3A_701, %dma_wait3A_706] : memref<2x320000xi32, #tpu.memory_space<hbm>> -> memref<1x128xi32, #tpu.memory_space<hbm>>
      %dma_wait3A_708 = tpu.memref_squeeze %dma_wait3A_707 : memref<1x128xi32, #tpu.memory_space<hbm>> -> memref<128xi32, #tpu.memory_space<hbm>>
      %dma_wait3A_709 = arith.constant 0 : i32
      %dma_wait3A_710 = tpu.memref_slice %arg10[%dma_wait3A_702, %dma_wait3A_709] : memref<1x128xi32, #tpu.memory_space<vmem>> -> memref<1x128xi32, #tpu.memory_space<vmem>>
      %dma_wait3A_711 = tpu.memref_squeeze %dma_wait3A_710 : memref<1x128xi32, #tpu.memory_space<vmem>> -> memref<128xi32, #tpu.memory_space<vmem>>
      %dma_wait3A_712 = arith.constant 0 : i32
      %dma_wait3A_713 = tpu.memref_slice %arg3[%dma_wait3A_701, %dma_wait3A_712] : memref<2x320000xi32, #tpu.memory_space<hbm>> -> memref<1x128xi32, #tpu.memory_space<hbm>>
      %dma_wait3A_714 = tpu.memref_squeeze %dma_wait3A_713 : memref<1x128xi32, #tpu.memory_space<hbm>> -> memref<128xi32, #tpu.memory_space<hbm>>
      tpu.wait_dma2 semaphore(%arg23 : memref<!tpu.dma_semaphore, #tpu.memory_space<semaphore_mem>>) src(%dma_wait3A_714 : memref<128xi32, #tpu.memory_space<hbm>>) dst(%dma_wait3A_711 : memref<128xi32, #tpu.memory_space<vmem>>)
      %dma_start3A_715 = arith.constant 0 : i32
      %dma_start3A_716 = arith.constant 0 : i32
      %dma_start3A_717 = tpu.memref_slice %arg10[%dma_start3A_715, %dma_start3A_716] : memref<1x128xi32, #tpu.memory_space<vmem>> -> memref<1x128xi32, #tpu.memory_space<vmem>>
      %dma_start3A_718 = tpu.memref_squeeze %dma_start3A_717 : memref<1x128xi32, #tpu.memory_space<vmem>> -> memref<128xi32, #tpu.memory_space<vmem>>
      %dma_start3A_719 = arith.constant 0 : i32
      %dma_start3A_720 = arith.constant 0 : i32
      %dma_start3A_721 = tpu.memref_slice %arg14[%dma_start3A_719, %dma_start3A_720] : memref<10000x128xf32, #tpu.memory_space<vmem_shared>> -> memref<10000x128xf32, #tpu.memory_space<vmem_shared>>
      tpu.enqueue_indirect_dma source(%arg13 : memref<128x128xf32, #tpu.memory_space<vmem>>) target(%dma_start3A_721 : memref<10000x128xf32, #tpu.memory_space<vmem_shared>>) offsets(%dma_start3A_718 : memref<128xi32, #tpu.memory_space<vmem>>) semaphore(%arg26 : memref<!tpu.dma_semaphore, #tpu.memory_space<semaphore_mem>>) {add = true}
      %add3A_722 = arith.constant 3 : i32
      %add3A_723 = arith.addi %add3A_660, %add3A_722 : i32
      %mul3A_724 = arith.constant 128 : i32
      %mul3A_725 = arith.muli %add3A_723, %mul3A_724 : i32
      %add3A_726 = arith.addi %mul3A_5, %mul3A_725 : i32
      %dma_start3A_727 = arith.constant 0 : i32
      %dma_start3A_728 = tpu.memref_slice %arg3[%dma_start3A_727, %add3A_726] : memref<2x320000xi32, #tpu.memory_space<hbm>> -> memref<1x128xi32, #tpu.memory_space<hbm>>
      %dma_start3A_729 = tpu.memref_squeeze %dma_start3A_728 : memref<1x128xi32, #tpu.memory_space<hbm>> -> memref<128xi32, #tpu.memory_space<hbm>>
      %dma_start3A_730 = tpu.memref_slice %arg3[%dma_start3A_727, %add3A_726] : memref<2x320000xi32, #tpu.memory_space<hbm>> -> memref<1x128xi32, #tpu.memory_space<hbm>>
      %dma_start3A_731 = tpu.memref_squeeze %dma_start3A_730 : memref<1x128xi32, #tpu.memory_space<hbm>> -> memref<128xi32, #tpu.memory_space<hbm>>
      tpu.enqueue_dma source(%dma_start3A_731 : memref<128xi32, #tpu.memory_space<hbm>>) target(%arg7 : memref<128xi32, #tpu.memory_space<vmem>>) target_semaphore(%arg20 : memref<!tpu.dma_semaphore, #tpu.memory_space<semaphore_mem>>)
    }
    %scan3A_272 = arith.constant 24 : i32
    %dma_wait3A_273 = arith.constant 0 : i32
    %dma_wait3A_274 = arith.constant 0 : i32
    %dma_wait3A_275 = tpu.memref_slice %arg10[%dma_wait3A_273, %dma_wait3A_274] : memref<1x128xi32, #tpu.memory_space<vmem>> -> memref<1x128xi32, #tpu.memory_space<vmem>>
    %dma_wait3A_276 = tpu.memref_squeeze %dma_wait3A_275 : memref<1x128xi32, #tpu.memory_space<vmem>> -> memref<128xi32, #tpu.memory_space<vmem>>
    %dma_wait3A_277 = arith.constant 0 : i32
    %dma_wait3A_278 = arith.constant 0 : i32
    %dma_wait3A_279 = tpu.memref_slice %arg14[%dma_wait3A_277, %dma_wait3A_278] : memref<10000x128xf32, #tpu.memory_space<vmem_shared>> -> memref<10000x128xf32, #tpu.memory_space<vmem_shared>>
    tpu.wait_indirect_dma semaphore(%arg26 : memref<!tpu.dma_semaphore, #tpu.memory_space<semaphore_mem>>) src(%arg13 : memref<128x128xf32, #tpu.memory_space<vmem>>) dst(%dma_wait3A_279 : memref<10000x128xf32, #tpu.memory_space<vmem_shared>>)
    %dma_wait3A_280 = arith.constant 0 : i32
    %dma_wait3A_281 = arith.constant 0 : i32
    %dma_wait3A_282 = tpu.memref_slice %arg3[%dma_wait3A_280, %dma_wait3A_281] : memref<2x320000xi32, #tpu.memory_space<hbm>> -> memref<1x128xi32, #tpu.memory_space<hbm>>
    %dma_wait3A_283 = tpu.memref_squeeze %dma_wait3A_282 : memref<1x128xi32, #tpu.memory_space<hbm>> -> memref<128xi32, #tpu.memory_space<hbm>>
    %dma_wait3A_284 = arith.constant 0 : i32
    %dma_wait3A_285 = tpu.memref_slice %arg3[%dma_wait3A_280, %dma_wait3A_284] : memref<2x320000xi32, #tpu.memory_space<hbm>> -> memref<1x128xi32, #tpu.memory_space<hbm>>
    %dma_wait3A_286 = tpu.memref_squeeze %dma_wait3A_285 : memref<1x128xi32, #tpu.memory_space<hbm>> -> memref<128xi32, #tpu.memory_space<hbm>>
    tpu.wait_dma2 semaphore(%arg20 : memref<!tpu.dma_semaphore, #tpu.memory_space<semaphore_mem>>) src(%dma_wait3A_286 : memref<128xi32, #tpu.memory_space<hbm>>) dst(%arg7 : memref<128xi32, #tpu.memory_space<vmem>>)
    %dma_start3A_287 = arith.constant 0 : i32
    %dma_start3A_288 = arith.constant 0 : i32
    %dma_start3A_289 = tpu.memref_slice %arg2[%dma_start3A_287, %dma_start3A_288] : memref<10000x128xf32, #tpu.memory_space<hbm>> -> memref<10000x128xf32, #tpu.memory_space<hbm>>
    tpu.enqueue_indirect_dma source(%dma_start3A_289 : memref<10000x128xf32, #tpu.memory_space<hbm>>) target(%arg13 : memref<128x128xf32, #tpu.memory_space<vmem>>) offsets(%arg7 : memref<128xi32, #tpu.memory_space<vmem>>) semaphore(%arg17 : memref<!tpu.dma_semaphore, #tpu.memory_space<semaphore_mem>>)
    %add3A_290 = arith.constant 9856 : i32
    %add3A_291 = arith.addi %mul3A_5, %add3A_290 : i32
    %dma_start3A_292 = arith.constant 1 : i32
    %dma_start3A_293 = arith.constant 0 : i32
    %dma_start3A_294 = arith.constant 0 : i32
    %dma_start3A_295 = tpu.memref_slice %arg10[%dma_start3A_293, %dma_start3A_294] : memref<1x128xi32, #tpu.memory_space<vmem>> -> memref<1x128xi32, #tpu.memory_space<vmem>>
    %dma_start3A_296 = tpu.memref_squeeze %dma_start3A_295 : memref<1x128xi32, #tpu.memory_space<vmem>> -> memref<128xi32, #tpu.memory_space<vmem>>
    %dma_start3A_297 = tpu.memref_slice %arg3[%dma_start3A_292, %add3A_291] : memref<2x320000xi32, #tpu.memory_space<hbm>> -> memref<1x128xi32, #tpu.memory_space<hbm>>
    %dma_start3A_298 = tpu.memref_squeeze %dma_start3A_297 : memref<1x128xi32, #tpu.memory_space<hbm>> -> memref<128xi32, #tpu.memory_space<hbm>>
    %dma_start3A_299 = arith.constant 0 : i32
    %dma_start3A_300 = tpu.memref_slice %arg10[%dma_start3A_293, %dma_start3A_299] : memref<1x128xi32, #tpu.memory_space<vmem>> -> memref<1x128xi32, #tpu.memory_space<vmem>>
    %dma_start3A_301 = tpu.memref_squeeze %dma_start3A_300 : memref<1x128xi32, #tpu.memory_space<vmem>> -> memref<128xi32, #tpu.memory_space<vmem>>
    %dma_start3A_302 = tpu.memref_slice %arg3[%dma_start3A_292, %add3A_291] : memref<2x320000xi32, #tpu.memory_space<hbm>> -> memref<1x128xi32, #tpu.memory_space<hbm>>
    %dma_start3A_303 = tpu.memref_squeeze %dma_start3A_302 : memref<1x128xi32, #tpu.memory_space<hbm>> -> memref<128xi32, #tpu.memory_space<hbm>>
    tpu.enqueue_dma source(%dma_start3A_303 : memref<128xi32, #tpu.memory_space<hbm>>) target(%dma_start3A_301 : memref<128xi32, #tpu.memory_space<vmem>>) target_semaphore(%arg23 : memref<!tpu.dma_semaphore, #tpu.memory_space<semaphore_mem>>)
    %dma_wait3A_304 = arith.constant 0 : i32
    %dma_wait3A_305 = arith.constant 0 : i32
    %dma_wait3A_306 = tpu.memref_slice %arg2[%dma_wait3A_304, %dma_wait3A_305] : memref<10000x128xf32, #tpu.memory_space<hbm>> -> memref<128x128xf32, #tpu.memory_space<hbm>>
    %dma_wait3A_307 = arith.constant 0 : i32
    %dma_wait3A_308 = arith.constant 0 : i32
    %dma_wait3A_309 = tpu.memref_slice %arg2[%dma_wait3A_307, %dma_wait3A_308] : memref<10000x128xf32, #tpu.memory_space<hbm>> -> memref<128x128xf32, #tpu.memory_space<hbm>>
    tpu.wait_dma2 semaphore(%arg15 : memref<!tpu.dma_semaphore, #tpu.memory_space<semaphore_mem>>) src(%dma_wait3A_309 : memref<128x128xf32, #tpu.memory_space<hbm>>) dst(%arg11 : memref<128x128xf32, #tpu.memory_space<vmem>>)
    %dma_wait3A_310 = arith.constant 1 : i32
    %dma_wait3A_311 = arith.constant 0 : i32
    %dma_wait3A_312 = arith.constant 0 : i32
    %dma_wait3A_313 = tpu.memref_slice %arg8[%dma_wait3A_311, %dma_wait3A_312] : memref<1x128xi32, #tpu.memory_space<vmem>> -> memref<1x128xi32, #tpu.memory_space<vmem>>
    %dma_wait3A_314 = tpu.memref_squeeze %dma_wait3A_313 : memref<1x128xi32, #tpu.memory_space<vmem>> -> memref<128xi32, #tpu.memory_space<vmem>>
    %dma_wait3A_315 = arith.constant 0 : i32
    %dma_wait3A_316 = tpu.memref_slice %arg3[%dma_wait3A_310, %dma_wait3A_315] : memref<2x320000xi32, #tpu.memory_space<hbm>> -> memref<1x128xi32, #tpu.memory_space<hbm>>
    %dma_wait3A_317 = tpu.memref_squeeze %dma_wait3A_316 : memref<1x128xi32, #tpu.memory_space<hbm>> -> memref<128xi32, #tpu.memory_space<hbm>>
    %dma_wait3A_318 = arith.constant 0 : i32
    %dma_wait3A_319 = tpu.memref_slice %arg8[%dma_wait3A_311, %dma_wait3A_318] : memref<1x128xi32, #tpu.memory_space<vmem>> -> memref<1x128xi32, #tpu.memory_space<vmem>>
    %dma_wait3A_320 = tpu.memref_squeeze %dma_wait3A_319 : memref<1x128xi32, #tpu.memory_space<vmem>> -> memref<128xi32, #tpu.memory_space<vmem>>
    %dma_wait3A_321 = arith.constant 0 : i32
    %dma_wait3A_322 = tpu.memref_slice %arg3[%dma_wait3A_310, %dma_wait3A_321] : memref<2x320000xi32, #tpu.memory_space<hbm>> -> memref<1x128xi32, #tpu.memory_space<hbm>>
    %dma_wait3A_323 = tpu.memref_squeeze %dma_wait3A_322 : memref<1x128xi32, #tpu.memory_space<hbm>> -> memref<128xi32, #tpu.memory_space<hbm>>
    tpu.wait_dma2 semaphore(%arg21 : memref<!tpu.dma_semaphore, #tpu.memory_space<semaphore_mem>>) src(%dma_wait3A_323 : memref<128xi32, #tpu.memory_space<hbm>>) dst(%dma_wait3A_320 : memref<128xi32, #tpu.memory_space<vmem>>)
    %dma_start3A_324 = arith.constant 0 : i32
    %dma_start3A_325 = arith.constant 0 : i32
    %dma_start3A_326 = tpu.memref_slice %arg8[%dma_start3A_324, %dma_start3A_325] : memref<1x128xi32, #tpu.memory_space<vmem>> -> memref<1x128xi32, #tpu.memory_space<vmem>>
    %dma_start3A_327 = tpu.memref_squeeze %dma_start3A_326 : memref<1x128xi32, #tpu.memory_space<vmem>> -> memref<128xi32, #tpu.memory_space<vmem>>
    %dma_start3A_328 = arith.constant 0 : i32
    %dma_start3A_329 = arith.constant 0 : i32
    %dma_start3A_330 = tpu.memref_slice %arg14[%dma_start3A_328, %dma_start3A_329] : memref<10000x128xf32, #tpu.memory_space<vmem_shared>> -> memref<10000x128xf32, #tpu.memory_space<vmem_shared>>
    tpu.enqueue_indirect_dma source(%arg11 : memref<128x128xf32, #tpu.memory_space<vmem>>) target(%dma_start3A_330 : memref<10000x128xf32, #tpu.memory_space<vmem_shared>>) offsets(%dma_start3A_327 : memref<128xi32, #tpu.memory_space<vmem>>) semaphore(%arg24 : memref<!tpu.dma_semaphore, #tpu.memory_space<semaphore_mem>>) {add = true}
    %dma_wait3A_331 = arith.constant 0 : i32
    %dma_wait3A_332 = arith.constant 0 : i32
    %dma_wait3A_333 = tpu.memref_slice %arg8[%dma_wait3A_331, %dma_wait3A_332] : memref<1x128xi32, #tpu.memory_space<vmem>> -> memref<1x128xi32, #tpu.memory_space<vmem>>
    %dma_wait3A_334 = tpu.memref_squeeze %dma_wait3A_333 : memref<1x128xi32, #tpu.memory_space<vmem>> -> memref<128xi32, #tpu.memory_space<vmem>>
    %dma_wait3A_335 = arith.constant 0 : i32
    %dma_wait3A_336 = arith.constant 0 : i32
    %dma_wait3A_337 = tpu.memref_slice %arg14[%dma_wait3A_335, %dma_wait3A_336] : memref<10000x128xf32, #tpu.memory_space<vmem_shared>> -> memref<10000x128xf32, #tpu.memory_space<vmem_shared>>
    tpu.wait_indirect_dma semaphore(%arg24 : memref<!tpu.dma_semaphore, #tpu.memory_space<semaphore_mem>>) src(%arg11 : memref<128x128xf32, #tpu.memory_space<vmem>>) dst(%dma_wait3A_337 : memref<10000x128xf32, #tpu.memory_space<vmem_shared>>)
    %dma_wait3A_338 = arith.constant 0 : i32
    %dma_wait3A_339 = arith.constant 0 : i32
    %dma_wait3A_340 = tpu.memref_slice %arg2[%dma_wait3A_338, %dma_wait3A_339] : memref<10000x128xf32, #tpu.memory_space<hbm>> -> memref<128x128xf32, #tpu.memory_space<hbm>>
    %dma_wait3A_341 = arith.constant 0 : i32
    %dma_wait3A_342 = arith.constant 0 : i32
    %dma_wait3A_343 = tpu.memref_slice %arg2[%dma_wait3A_341, %dma_wait3A_342] : memref<10000x128xf32, #tpu.memory_space<hbm>> -> memref<128x128xf32, #tpu.memory_space<hbm>>
    tpu.wait_dma2 semaphore(%arg16 : memref<!tpu.dma_semaphore, #tpu.memory_space<semaphore_mem>>) src(%dma_wait3A_343 : memref<128x128xf32, #tpu.memory_space<hbm>>) dst(%arg12 : memref<128x128xf32, #tpu.memory_space<vmem>>)
    %dma_wait3A_344 = arith.constant 1 : i32
    %dma_wait3A_345 = arith.constant 0 : i32
    %dma_wait3A_346 = arith.constant 0 : i32
    %dma_wait3A_347 = tpu.memref_slice %arg9[%dma_wait3A_345, %dma_wait3A_346] : memref<1x128xi32, #tpu.memory_space<vmem>> -> memref<1x128xi32, #tpu.memory_space<vmem>>
    %dma_wait3A_348 = tpu.memref_squeeze %dma_wait3A_347 : memref<1x128xi32, #tpu.memory_space<vmem>> -> memref<128xi32, #tpu.memory_space<vmem>>
    %dma_wait3A_349 = arith.constant 0 : i32
    %dma_wait3A_350 = tpu.memref_slice %arg3[%dma_wait3A_344, %dma_wait3A_349] : memref<2x320000xi32, #tpu.memory_space<hbm>> -> memref<1x128xi32, #tpu.memory_space<hbm>>
    %dma_wait3A_351 = tpu.memref_squeeze %dma_wait3A_350 : memref<1x128xi32, #tpu.memory_space<hbm>> -> memref<128xi32, #tpu.memory_space<hbm>>
    %dma_wait3A_352 = arith.constant 0 : i32
    %dma_wait3A_353 = tpu.memref_slice %arg9[%dma_wait3A_345, %dma_wait3A_352] : memref<1x128xi32, #tpu.memory_space<vmem>> -> memref<1x128xi32, #tpu.memory_space<vmem>>
    %dma_wait3A_354 = tpu.memref_squeeze %dma_wait3A_353 : memref<1x128xi32, #tpu.memory_space<vmem>> -> memref<128xi32, #tpu.memory_space<vmem>>
    %dma_wait3A_355 = arith.constant 0 : i32
    %dma_wait3A_356 = tpu.memref_slice %arg3[%dma_wait3A_344, %dma_wait3A_355] : memref<2x320000xi32, #tpu.memory_space<hbm>> -> memref<1x128xi32, #tpu.memory_space<hbm>>
    %dma_wait3A_357 = tpu.memref_squeeze %dma_wait3A_356 : memref<1x128xi32, #tpu.memory_space<hbm>> -> memref<128xi32, #tpu.memory_space<hbm>>
    tpu.wait_dma2 semaphore(%arg22 : memref<!tpu.dma_semaphore, #tpu.memory_space<semaphore_mem>>) src(%dma_wait3A_357 : memref<128xi32, #tpu.memory_space<hbm>>) dst(%dma_wait3A_354 : memref<128xi32, #tpu.memory_space<vmem>>)
    %dma_start3A_358 = arith.constant 0 : i32
    %dma_start3A_359 = arith.constant 0 : i32
    %dma_start3A_360 = tpu.memref_slice %arg9[%dma_start3A_358, %dma_start3A_359] : memref<1x128xi32, #tpu.memory_space<vmem>> -> memref<1x128xi32, #tpu.memory_space<vmem>>
    %dma_start3A_361 = tpu.memref_squeeze %dma_start3A_360 : memref<1x128xi32, #tpu.memory_space<vmem>> -> memref<128xi32, #tpu.memory_space<vmem>>
    %dma_start3A_362 = arith.constant 0 : i32
    %dma_start3A_363 = arith.constant 0 : i32
    %dma_start3A_364 = tpu.memref_slice %arg14[%dma_start3A_362, %dma_start3A_363] : memref<10000x128xf32, #tpu.memory_space<vmem_shared>> -> memref<10000x128xf32, #tpu.memory_space<vmem_shared>>
    tpu.enqueue_indirect_dma source(%arg12 : memref<128x128xf32, #tpu.memory_space<vmem>>) target(%dma_start3A_364 : memref<10000x128xf32, #tpu.memory_space<vmem_shared>>) offsets(%dma_start3A_361 : memref<128xi32, #tpu.memory_space<vmem>>) semaphore(%arg25 : memref<!tpu.dma_semaphore, #tpu.memory_space<semaphore_mem>>) {add = true}
    %dma_wait3A_365 = arith.constant 0 : i32
    %dma_wait3A_366 = arith.constant 0 : i32
    %dma_wait3A_367 = tpu.memref_slice %arg9[%dma_wait3A_365, %dma_wait3A_366] : memref<1x128xi32, #tpu.memory_space<vmem>> -> memref<1x128xi32, #tpu.memory_space<vmem>>
    %dma_wait3A_368 = tpu.memref_squeeze %dma_wait3A_367 : memref<1x128xi32, #tpu.memory_space<vmem>> -> memref<128xi32, #tpu.memory_space<vmem>>
    %dma_wait3A_369 = arith.constant 0 : i32
    %dma_wait3A_370 = arith.constant 0 : i32
    %dma_wait3A_371 = tpu.memref_slice %arg14[%dma_wait3A_369, %dma_wait3A_370] : memref<10000x128xf32, #tpu.memory_space<vmem_shared>> -> memref<10000x128xf32, #tpu.memory_space<vmem_shared>>
    tpu.wait_indirect_dma semaphore(%arg25 : memref<!tpu.dma_semaphore, #tpu.memory_space<semaphore_mem>>) src(%arg12 : memref<128x128xf32, #tpu.memory_space<vmem>>) dst(%dma_wait3A_371 : memref<10000x128xf32, #tpu.memory_space<vmem_shared>>)
    %dma_wait3A_372 = arith.constant 0 : i32
    %dma_wait3A_373 = arith.constant 0 : i32
    %dma_wait3A_374 = tpu.memref_slice %arg2[%dma_wait3A_372, %dma_wait3A_373] : memref<10000x128xf32, #tpu.memory_space<hbm>> -> memref<128x128xf32, #tpu.memory_space<hbm>>
    %dma_wait3A_375 = arith.constant 0 : i32
    %dma_wait3A_376 = arith.constant 0 : i32
    %dma_wait3A_377 = tpu.memref_slice %arg2[%dma_wait3A_375, %dma_wait3A_376] : memref<10000x128xf32, #tpu.memory_space<hbm>> -> memref<128x128xf32, #tpu.memory_space<hbm>>
    tpu.wait_dma2 semaphore(%arg17 : memref<!tpu.dma_semaphore, #tpu.memory_space<semaphore_mem>>) src(%dma_wait3A_377 : memref<128x128xf32, #tpu.memory_space<hbm>>) dst(%arg13 : memref<128x128xf32, #tpu.memory_space<vmem>>)
    %dma_wait3A_378 = arith.constant 1 : i32
    %dma_wait3A_379 = arith.constant 0 : i32
    %dma_wait3A_380 = arith.constant 0 : i32
    %dma_wait3A_381 = tpu.memref_slice %arg10[%dma_wait3A_379, %dma_wait3A_380] : memref<1x128xi32, #tpu.memory_space<vmem>> -> memref<1x128xi32, #tpu.memory_space<vmem>>
    %dma_wait3A_382 = tpu.memref_squeeze %dma_wait3A_381 : memref<1x128xi32, #tpu.memory_space<vmem>> -> memref<128xi32, #tpu.memory_space<vmem>>
    %dma_wait3A_383 = arith.constant 0 : i32
    %dma_wait3A_384 = tpu.memref_slice %arg3[%dma_wait3A_378, %dma_wait3A_383] : memref<2x320000xi32, #tpu.memory_space<hbm>> -> memref<1x128xi32, #tpu.memory_space<hbm>>
    %dma_wait3A_385 = tpu.memref_squeeze %dma_wait3A_384 : memref<1x128xi32, #tpu.memory_space<hbm>> -> memref<128xi32, #tpu.memory_space<hbm>>
    %dma_wait3A_386 = arith.constant 0 : i32
    %dma_wait3A_387 = tpu.memref_slice %arg10[%dma_wait3A_379, %dma_wait3A_386] : memref<1x128xi32, #tpu.memory_space<vmem>> -> memref<1x128xi32, #tpu.memory_space<vmem>>
    %dma_wait3A_388 = tpu.memref_squeeze %dma_wait3A_387 : memref<1x128xi32, #tpu.memory_space<vmem>> -> memref<128xi32, #tpu.memory_space<vmem>>
    %dma_wait3A_389 = arith.constant 0 : i32
    %dma_wait3A_390 = tpu.memref_slice %arg3[%dma_wait3A_378, %dma_wait3A_389] : memref<2x320000xi32, #tpu.memory_space<hbm>> -> memref<1x128xi32, #tpu.memory_space<hbm>>
    %dma_wait3A_391 = tpu.memref_squeeze %dma_wait3A_390 : memref<1x128xi32, #tpu.memory_space<hbm>> -> memref<128xi32, #tpu.memory_space<hbm>>
    tpu.wait_dma2 semaphore(%arg23 : memref<!tpu.dma_semaphore, #tpu.memory_space<semaphore_mem>>) src(%dma_wait3A_391 : memref<128xi32, #tpu.memory_space<hbm>>) dst(%dma_wait3A_388 : memref<128xi32, #tpu.memory_space<vmem>>)
    %dma_start3A_392 = arith.constant 0 : i32
    %dma_start3A_393 = arith.constant 0 : i32
    %dma_start3A_394 = tpu.memref_slice %arg10[%dma_start3A_392, %dma_start3A_393] : memref<1x128xi32, #tpu.memory_space<vmem>> -> memref<1x128xi32, #tpu.memory_space<vmem>>
    %dma_start3A_395 = tpu.memref_squeeze %dma_start3A_394 : memref<1x128xi32, #tpu.memory_space<vmem>> -> memref<128xi32, #tpu.memory_space<vmem>>
    %dma_start3A_396 = arith.constant 0 : i32
    %dma_start3A_397 = arith.constant 0 : i32
    %dma_start3A_398 = tpu.memref_slice %arg14[%dma_start3A_396, %dma_start3A_397] : memref<10000x128xf32, #tpu.memory_space<vmem_shared>> -> memref<10000x128xf32, #tpu.memory_space<vmem_shared>>
    tpu.enqueue_indirect_dma source(%arg13 : memref<128x128xf32, #tpu.memory_space<vmem>>) target(%dma_start3A_398 : memref<10000x128xf32, #tpu.memory_space<vmem_shared>>) offsets(%dma_start3A_395 : memref<128xi32, #tpu.memory_space<vmem>>) semaphore(%arg26 : memref<!tpu.dma_semaphore, #tpu.memory_space<semaphore_mem>>) {add = true}
    %dma_wait3A_399 = arith.constant 0 : i32
    %dma_wait3A_400 = arith.constant 0 : i32
    %dma_wait3A_401 = tpu.memref_slice %arg10[%dma_wait3A_399, %dma_wait3A_400] : memref<1x128xi32, #tpu.memory_space<vmem>> -> memref<1x128xi32, #tpu.memory_space<vmem>>
    %dma_wait3A_402 = tpu.memref_squeeze %dma_wait3A_401 : memref<1x128xi32, #tpu.memory_space<vmem>> -> memref<128xi32, #tpu.memory_space<vmem>>
    %dma_wait3A_403 = arith.constant 0 : i32
    %dma_wait3A_404 = arith.constant 0 : i32
    %dma_wait3A_405 = tpu.memref_slice %arg14[%dma_wait3A_403, %dma_wait3A_404] : memref<10000x128xf32, #tpu.memory_space<vmem_shared>> -> memref<10000x128xf32, #tpu.memory_space<vmem_shared>>
    tpu.wait_indirect_dma semaphore(%arg26 : memref<!tpu.dma_semaphore, #tpu.memory_space<semaphore_mem>>) src(%arg13 : memref<128x128xf32, #tpu.memory_space<vmem>>) dst(%dma_wait3A_405 : memref<10000x128xf32, #tpu.memory_space<vmem_shared>>)
    %lt3A = arith.constant 2 : i32
    %lt3A_406 = arith.cmpi slt, %arg1, %lt3A : i32
    %convert_element_type3A_407 = arith.extui %lt3A_406 : i1 to i32
    %cond3A_408 = arith.constant 0 : i32
    %cond3A_409 = arith.cmpi ne, %convert_element_type3A_407, %cond3A_408 : i32
    scf.if %cond3A_409 {
      %mul3A_510 = arith.constant 2 : i32
      %mul3A_511 = arith.muli %arg0, %mul3A_510 : i32
      %add3A_512 = arith.addi %mul3A_511, %arg1 : i32
      %mul3A_513 = arith.constant 128 : i32
      %mul3A_514 = arith.muli %add3A_512, %mul3A_513 : i32
      %add3A_515 = arith.constant 319488 : i32
      %add3A_516 = arith.addi %add3A_515, %mul3A_514 : i32
      %run_scoped3A_517 = arith.constant 0 : i32
      "tpu.region"() ({
        %run_scoped3A_527 = tpu.sem_alloc : memref<!tpu.dma_semaphore, #tpu.memory_space<semaphore_mem>>
        %dma_start3A_528 = tpu.memref_slice %arg3[%run_scoped3A_517, %add3A_516] : memref<2x320000xi32, #tpu.memory_space<hbm>> -> memref<1x128xi32, #tpu.memory_space<hbm>>
        %dma_start3A_529 = tpu.memref_squeeze %dma_start3A_528 : memref<1x128xi32, #tpu.memory_space<hbm>> -> memref<128xi32, #tpu.memory_space<hbm>>
        %dma_start3A_530 = tpu.memref_slice %arg3[%run_scoped3A_517, %add3A_516] : memref<2x320000xi32, #tpu.memory_space<hbm>> -> memref<1x128xi32, #tpu.memory_space<hbm>>
        %dma_start3A_531 = tpu.memref_squeeze %dma_start3A_530 : memref<1x128xi32, #tpu.memory_space<hbm>> -> memref<128xi32, #tpu.memory_space<hbm>>
        tpu.enqueue_dma source(%dma_start3A_531 : memref<128xi32, #tpu.memory_space<hbm>>) target(%arg5 : memref<128xi32, #tpu.memory_space<vmem>>) target_semaphore(%run_scoped3A_527 : memref<!tpu.dma_semaphore, #tpu.memory_space<semaphore_mem>>)
        %dma_wait3A_532 = tpu.memref_slice %arg3[%run_scoped3A_517, %add3A_516] : memref<2x320000xi32, #tpu.memory_space<hbm>> -> memref<1x128xi32, #tpu.memory_space<hbm>>
        %dma_wait3A_533 = tpu.memref_squeeze %dma_wait3A_532 : memref<1x128xi32, #tpu.memory_space<hbm>> -> memref<128xi32, #tpu.memory_space<hbm>>
        %dma_wait3A_534 = tpu.memref_slice %arg3[%run_scoped3A_517, %add3A_516] : memref<2x320000xi32, #tpu.memory_space<hbm>> -> memref<1x128xi32, #tpu.memory_space<hbm>>
        %dma_wait3A_535 = tpu.memref_squeeze %dma_wait3A_534 : memref<1x128xi32, #tpu.memory_space<hbm>> -> memref<128xi32, #tpu.memory_space<hbm>>
        tpu.wait_dma2 semaphore(%run_scoped3A_527 : memref<!tpu.dma_semaphore, #tpu.memory_space<semaphore_mem>>) src(%dma_wait3A_535 : memref<128xi32, #tpu.memory_space<hbm>>) dst(%arg5 : memref<128xi32, #tpu.memory_space<vmem>>)
        tpu.yield
      }) : () -> ()
      %run_scoped3A_518 = arith.constant 1 : i32
      %run_scoped3A_519 = arith.constant 0 : i32
      "tpu.region"() ({
        %run_scoped3A_527 = tpu.sem_alloc : memref<!tpu.dma_semaphore, #tpu.memory_space<semaphore_mem>>
        %dma_start3A_528 = arith.constant 0 : i32
        %dma_start3A_529 = tpu.memref_slice %arg8[%run_scoped3A_519, %dma_start3A_528] : memref<1x128xi32, #tpu.memory_space<vmem>> -> memref<1x128xi32, #tpu.memory_space<vmem>>
        %dma_start3A_530 = tpu.memref_squeeze %dma_start3A_529 : memref<1x128xi32, #tpu.memory_space<vmem>> -> memref<128xi32, #tpu.memory_space<vmem>>
        %dma_start3A_531 = tpu.memref_slice %arg3[%run_scoped3A_518, %add3A_516] : memref<2x320000xi32, #tpu.memory_space<hbm>> -> memref<1x128xi32, #tpu.memory_space<hbm>>
        %dma_start3A_532 = tpu.memref_squeeze %dma_start3A_531 : memref<1x128xi32, #tpu.memory_space<hbm>> -> memref<128xi32, #tpu.memory_space<hbm>>
        %dma_start3A_533 = arith.constant 0 : i32
        %dma_start3A_534 = tpu.memref_slice %arg8[%run_scoped3A_519, %dma_start3A_533] : memref<1x128xi32, #tpu.memory_space<vmem>> -> memref<1x128xi32, #tpu.memory_space<vmem>>
        %dma_start3A_535 = tpu.memref_squeeze %dma_start3A_534 : memref<1x128xi32, #tpu.memory_space<vmem>> -> memref<128xi32, #tpu.memory_space<vmem>>
        %dma_start3A_536 = tpu.memref_slice %arg3[%run_scoped3A_518, %add3A_516] : memref<2x320000xi32, #tpu.memory_space<hbm>> -> memref<1x128xi32, #tpu.memory_space<hbm>>
        %dma_start3A_537 = tpu.memref_squeeze %dma_start3A_536 : memref<1x128xi32, #tpu.memory_space<hbm>> -> memref<128xi32, #tpu.memory_space<hbm>>
        tpu.enqueue_dma source(%dma_start3A_537 : memref<128xi32, #tpu.memory_space<hbm>>) target(%dma_start3A_535 : memref<128xi32, #tpu.memory_space<vmem>>) target_semaphore(%run_scoped3A_527 : memref<!tpu.dma_semaphore, #tpu.memory_space<semaphore_mem>>)
        %dma_wait3A_538 = arith.constant 0 : i32
        %dma_wait3A_539 = tpu.memref_slice %arg8[%run_scoped3A_519, %dma_wait3A_538] : memref<1x128xi32, #tpu.memory_space<vmem>> -> memref<1x128xi32, #tpu.memory_space<vmem>>
        %dma_wait3A_540 = tpu.memref_squeeze %dma_wait3A_539 : memref<1x128xi32, #tpu.memory_space<vmem>> -> memref<128xi32, #tpu.memory_space<vmem>>
        %dma_wait3A_541 = tpu.memref_slice %arg3[%run_scoped3A_518, %add3A_516] : memref<2x320000xi32, #tpu.memory_space<hbm>> -> memref<1x128xi32, #tpu.memory_space<hbm>>
        %dma_wait3A_542 = tpu.memref_squeeze %dma_wait3A_541 : memref<1x128xi32, #tpu.memory_space<hbm>> -> memref<128xi32, #tpu.memory_space<hbm>>
        %dma_wait3A_543 = arith.constant 0 : i32
        %dma_wait3A_544 = tpu.memref_slice %arg8[%run_scoped3A_519, %dma_wait3A_543] : memref<1x128xi32, #tpu.memory_space<vmem>> -> memref<1x128xi32, #tpu.memory_space<vmem>>
        %dma_wait3A_545 = tpu.memref_squeeze %dma_wait3A_544 : memref<1x128xi32, #tpu.memory_space<vmem>> -> memref<128xi32, #tpu.memory_space<vmem>>
        %dma_wait3A_546 = tpu.memref_slice %arg3[%run_scoped3A_518, %add3A_516] : memref<2x320000xi32, #tpu.memory_space<hbm>> -> memref<1x128xi32, #tpu.memory_space<hbm>>
        %dma_wait3A_547 = tpu.memref_squeeze %dma_wait3A_546 : memref<1x128xi32, #tpu.memory_space<hbm>> -> memref<128xi32, #tpu.memory_space<hbm>>
        tpu.wait_dma2 semaphore(%run_scoped3A_527 : memref<!tpu.dma_semaphore, #tpu.memory_space<semaphore_mem>>) src(%dma_wait3A_547 : memref<128xi32, #tpu.memory_space<hbm>>) dst(%dma_wait3A_545 : memref<128xi32, #tpu.memory_space<vmem>>)
        tpu.yield
      }) : () -> ()
      %dma_start3A_520 = arith.constant 0 : i32
      %dma_start3A_521 = arith.constant 0 : i32
      %dma_start3A_522 = tpu.memref_slice %arg2[%dma_start3A_520, %dma_start3A_521] : memref<10000x128xf32, #tpu.memory_space<hbm>> -> memref<10000x128xf32, #tpu.memory_space<hbm>>
      tpu.enqueue_indirect_dma source(%dma_start3A_522 : memref<10000x128xf32, #tpu.memory_space<hbm>>) target(%arg11 : memref<128x128xf32, #tpu.memory_space<vmem>>) offsets(%arg5 : memref<128xi32, #tpu.memory_space<vmem>>) semaphore(%arg15 : memref<!tpu.dma_semaphore, #tpu.memory_space<semaphore_mem>>)
      %dma_wait3A_523 = arith.constant 0 : i32
      %dma_wait3A_524 = arith.constant 0 : i32
      %dma_wait3A_525 = tpu.memref_slice %arg2[%dma_wait3A_523, %dma_wait3A_524] : memref<10000x128xf32, #tpu.memory_space<hbm>> -> memref<10000x128xf32, #tpu.memory_space<hbm>>
      tpu.wait_indirect_dma semaphore(%arg15 : memref<!tpu.dma_semaphore, #tpu.memory_space<semaphore_mem>>) src(%dma_wait3A_525 : memref<10000x128xf32, #tpu.memory_space<hbm>>) dst(%arg11 : memref<128x128xf32, #tpu.memory_space<vmem>>)
      %run_scoped3A_526 = arith.constant 0 : i32
      "tpu.region"() ({
        %run_scoped3A_527 = tpu.sem_alloc : memref<!tpu.dma_semaphore, #tpu.memory_space<semaphore_mem>>
        %dma_start3A_528 = arith.constant 0 : i32
        %dma_start3A_529 = tpu.memref_slice %arg8[%run_scoped3A_526, %dma_start3A_528] : memref<1x128xi32, #tpu.memory_space<vmem>> -> memref<1x128xi32, #tpu.memory_space<vmem>>
        %dma_start3A_530 = tpu.memref_squeeze %dma_start3A_529 : memref<1x128xi32, #tpu.memory_space<vmem>> -> memref<128xi32, #tpu.memory_space<vmem>>
        %dma_start3A_531 = arith.constant 0 : i32
        %dma_start3A_532 = arith.constant 0 : i32
        %dma_start3A_533 = tpu.memref_slice %arg14[%dma_start3A_531, %dma_start3A_532] : memref<10000x128xf32, #tpu.memory_space<vmem_shared>> -> memref<10000x128xf32, #tpu.memory_space<vmem_shared>>
        tpu.enqueue_indirect_dma source(%arg11 : memref<128x128xf32, #tpu.memory_space<vmem>>) target(%dma_start3A_533 : memref<10000x128xf32, #tpu.memory_space<vmem_shared>>) offsets(%dma_start3A_530 : memref<128xi32, #tpu.memory_space<vmem>>) semaphore(%run_scoped3A_527 : memref<!tpu.dma_semaphore, #tpu.memory_space<semaphore_mem>>) {add = true}
        %dma_wait3A_534 = arith.constant 0 : i32
        %dma_wait3A_535 = tpu.memref_slice %arg8[%run_scoped3A_526, %dma_wait3A_534] : memref<1x128xi32, #tpu.memory_space<vmem>> -> memref<1x128xi32, #tpu.memory_space<vmem>>
        %dma_wait3A_536 = tpu.memref_squeeze %dma_wait3A_535 : memref<1x128xi32, #tpu.memory_space<vmem>> -> memref<128xi32, #tpu.memory_space<vmem>>
        %dma_wait3A_537 = arith.constant 0 : i32
        %dma_wait3A_538 = arith.constant 0 : i32
        %dma_wait3A_539 = tpu.memref_slice %arg14[%dma_wait3A_537, %dma_wait3A_538] : memref<10000x128xf32, #tpu.memory_space<vmem_shared>> -> memref<10000x128xf32, #tpu.memory_space<vmem_shared>>
        tpu.wait_indirect_dma semaphore(%run_scoped3A_527 : memref<!tpu.dma_semaphore, #tpu.memory_space<semaphore_mem>>) src(%arg11 : memref<128x128xf32, #tpu.memory_space<vmem>>) dst(%dma_wait3A_539 : memref<10000x128xf32, #tpu.memory_space<vmem_shared>>)
        tpu.yield
      }) : () -> ()
    } else {
    }
    %barrier3A_410 = arith.constant 0 : index
    tpu.barrier barrier_id(%barrier3A_410)
    %add3A_411 = arith.constant 0 : i32
    %add3A_412 = arith.addi %mul3A_0, %add3A_411 : i32
    %dma_start3A_413 = arith.constant 0 : i32
    %dma_start3A_414 = tpu.memref_slice %arg4[%arg0, %add3A_412, %dma_start3A_413] : memref<2x10000x128xf32, #tpu.memory_space<hbm>> -> memref<1x104x128xf32, #tpu.memory_space<hbm>>
    %dma_start3A_415 = tpu.memref_squeeze %dma_start3A_414 : memref<1x104x128xf32, #tpu.memory_space<hbm>> -> memref<104x128xf32, #tpu.memory_space<hbm>>
    %dma_start3A_416 = arith.constant 0 : i32
    %dma_start3A_417 = tpu.memref_slice %arg14[%add3A_412, %dma_start3A_416] : memref<10000x128xf32, #tpu.memory_space<vmem_shared>> -> memref<104x128xf32, #tpu.memory_space<vmem_shared>>
    tpu.enqueue_dma source(%dma_start3A_417 : memref<104x128xf32, #tpu.memory_space<vmem_shared>>) target(%dma_start3A_415 : memref<104x128xf32, #tpu.memory_space<hbm>>) target_semaphore(%arg15 : memref<!tpu.dma_semaphore, #tpu.memory_space<semaphore_mem>>)
    %add3A_418 = arith.constant 104 : i32
    %add3A_419 = arith.addi %mul3A_0, %add3A_418 : i32
    %dma_start3A_420 = arith.constant 0 : i32
    %dma_start3A_421 = tpu.memref_slice %arg4[%arg0, %add3A_419, %dma_start3A_420] : memref<2x10000x128xf32, #tpu.memory_space<hbm>> -> memref<1x104x128xf32, #tpu.memory_space<hbm>>
    %dma_start3A_422 = tpu.memref_squeeze %dma_start3A_421 : memref<1x104x128xf32, #tpu.memory_space<hbm>> -> memref<104x128xf32, #tpu.memory_space<hbm>>
    %dma_start3A_423 = arith.constant 0 : i32
    %dma_start3A_424 = tpu.memref_slice %arg14[%add3A_419, %dma_start3A_423] : memref<10000x128xf32, #tpu.memory_space<vmem_shared>> -> memref<104x128xf32, #tpu.memory_space<vmem_shared>>
    tpu.enqueue_dma source(%dma_start3A_424 : memref<104x128xf32, #tpu.memory_space<vmem_shared>>) target(%dma_start3A_422 : memref<104x128xf32, #tpu.memory_space<hbm>>) target_semaphore(%arg15 : memref<!tpu.dma_semaphore, #tpu.memory_space<semaphore_mem>>)
    %add3A_425 = arith.constant 208 : i32
    %add3A_426 = arith.addi %mul3A_0, %add3A_425 : i32
    %dma_start3A_427 = arith.constant 0 : i32
    %dma_start3A_428 = tpu.memref_slice %arg4[%arg0, %add3A_426, %dma_start3A_427] : memref<2x10000x128xf32, #tpu.memory_space<hbm>> -> memref<1x104x128xf32, #tpu.memory_space<hbm>>
    %dma_start3A_429 = tpu.memref_squeeze %dma_start3A_428 : memref<1x104x128xf32, #tpu.memory_space<hbm>> -> memref<104x128xf32, #tpu.memory_space<hbm>>
    %dma_start3A_430 = arith.constant 0 : i32
    %dma_start3A_431 = tpu.memref_slice %arg14[%add3A_426, %dma_start3A_430] : memref<10000x128xf32, #tpu.memory_space<vmem_shared>> -> memref<104x128xf32, #tpu.memory_space<vmem_shared>>
    tpu.enqueue_dma source(%dma_start3A_431 : memref<104x128xf32, #tpu.memory_space<vmem_shared>>) target(%dma_start3A_429 : memref<104x128xf32, #tpu.memory_space<hbm>>) target_semaphore(%arg15 : memref<!tpu.dma_semaphore, #tpu.memory_space<semaphore_mem>>)
    %add3A_432 = arith.constant 312 : i32
    %add3A_433 = arith.addi %mul3A_0, %add3A_432 : i32
    %dma_start3A_434 = arith.constant 0 : i32
    %dma_start3A_435 = tpu.memref_slice %arg4[%arg0, %add3A_433, %dma_start3A_434] : memref<2x10000x128xf32, #tpu.memory_space<hbm>> -> memref<1x104x128xf32, #tpu.memory_space<hbm>>
    %dma_start3A_436 = tpu.memref_squeeze %dma_start3A_435 : memref<1x104x128xf32, #tpu.memory_space<hbm>> -> memref<104x128xf32, #tpu.memory_space<hbm>>
    %dma_start3A_437 = arith.constant 0 : i32
    %dma_start3A_438 = tpu.memref_slice %arg14[%add3A_433, %dma_start3A_437] : memref<10000x128xf32, #tpu.memory_space<vmem_shared>> -> memref<104x128xf32, #tpu.memory_space<vmem_shared>>
    tpu.enqueue_dma source(%dma_start3A_438 : memref<104x128xf32, #tpu.memory_space<vmem_shared>>) target(%dma_start3A_436 : memref<104x128xf32, #tpu.memory_space<hbm>>) target_semaphore(%arg15 : memref<!tpu.dma_semaphore, #tpu.memory_space<semaphore_mem>>)
    %add3A_439 = arith.constant 416 : i32
    %add3A_440 = arith.addi %mul3A_0, %add3A_439 : i32
    %dma_start3A_441 = arith.constant 0 : i32
    %dma_start3A_442 = tpu.memref_slice %arg4[%arg0, %add3A_440, %dma_start3A_441] : memref<2x10000x128xf32, #tpu.memory_space<hbm>> -> memref<1x104x128xf32, #tpu.memory_space<hbm>>
    %dma_start3A_443 = tpu.memref_squeeze %dma_start3A_442 : memref<1x104x128xf32, #tpu.memory_space<hbm>> -> memref<104x128xf32, #tpu.memory_space<hbm>>
    %dma_start3A_444 = arith.constant 0 : i32
    %dma_start3A_445 = tpu.memref_slice %arg14[%add3A_440, %dma_start3A_444] : memref<10000x128xf32, #tpu.memory_space<vmem_shared>> -> memref<104x128xf32, #tpu.memory_space<vmem_shared>>
    tpu.enqueue_dma source(%dma_start3A_445 : memref<104x128xf32, #tpu.memory_space<vmem_shared>>) target(%dma_start3A_443 : memref<104x128xf32, #tpu.memory_space<hbm>>) target_semaphore(%arg15 : memref<!tpu.dma_semaphore, #tpu.memory_space<semaphore_mem>>)
    %add3A_446 = arith.constant 520 : i32
    %add3A_447 = arith.addi %mul3A_0, %add3A_446 : i32
    %dma_start3A_448 = arith.constant 0 : i32
    %dma_start3A_449 = tpu.memref_slice %arg4[%arg0, %add3A_447, %dma_start3A_448] : memref<2x10000x128xf32, #tpu.memory_space<hbm>> -> memref<1x104x128xf32, #tpu.memory_space<hbm>>
    %dma_start3A_450 = tpu.memref_squeeze %dma_start3A_449 : memref<1x104x128xf32, #tpu.memory_space<hbm>> -> memref<104x128xf32, #tpu.memory_space<hbm>>
    %dma_start3A_451 = arith.constant 0 : i32
    %dma_start3A_452 = tpu.memref_slice %arg14[%add3A_447, %dma_start3A_451] : memref<10000x128xf32, #tpu.memory_space<vmem_shared>> -> memref<104x128xf32, #tpu.memory_space<vmem_shared>>
    tpu.enqueue_dma source(%dma_start3A_452 : memref<104x128xf32, #tpu.memory_space<vmem_shared>>) target(%dma_start3A_450 : memref<104x128xf32, #tpu.memory_space<hbm>>) target_semaphore(%arg15 : memref<!tpu.dma_semaphore, #tpu.memory_space<semaphore_mem>>)
    %convert_element_type3A_453 = arith.extui %eq3A_1 : i1 to i32
    %cond3A_454 = arith.constant 0 : i32
    %cond3A_455 = arith.cmpi ne, %convert_element_type3A_453, %cond3A_454 : i32
    scf.if %cond3A_455 {
      "tpu.region"() ({
        %run_scoped3A_510 = tpu.sem_alloc : memref<!tpu.dma_semaphore, #tpu.memory_space<semaphore_mem>>
        %dma_start3A_511 = arith.constant 9984 : i32
        %dma_start3A_512 = arith.constant 0 : i32
        %dma_start3A_513 = tpu.memref_slice %arg4[%arg0, %dma_start3A_511, %dma_start3A_512] : memref<2x10000x128xf32, #tpu.memory_space<hbm>> -> memref<1x16x128xf32, #tpu.memory_space<hbm>>
        %dma_start3A_514 = tpu.memref_squeeze %dma_start3A_513 : memref<1x16x128xf32, #tpu.memory_space<hbm>> -> memref<16x128xf32, #tpu.memory_space<hbm>>
        %dma_start3A_515 = arith.constant 9984 : i32
        %dma_start3A_516 = arith.constant 0 : i32
        %dma_start3A_517 = tpu.memref_slice %arg14[%dma_start3A_515, %dma_start3A_516] : memref<10000x128xf32, #tpu.memory_space<vmem_shared>> -> memref<16x128xf32, #tpu.memory_space<vmem_shared>>
        tpu.enqueue_dma source(%dma_start3A_517 : memref<16x128xf32, #tpu.memory_space<vmem_shared>>) target(%dma_start3A_514 : memref<16x128xf32, #tpu.memory_space<hbm>>) target_semaphore(%run_scoped3A_510 : memref<!tpu.dma_semaphore, #tpu.memory_space<semaphore_mem>>)
        %dma_wait3A_518 = arith.constant 9984 : i32
        %dma_wait3A_519 = arith.constant 0 : i32
        %dma_wait3A_520 = tpu.memref_slice %arg4[%arg0, %dma_wait3A_518, %dma_wait3A_519] : memref<2x10000x128xf32, #tpu.memory_space<hbm>> -> memref<1x16x128xf32, #tpu.memory_space<hbm>>
        %dma_wait3A_521 = tpu.memref_squeeze %dma_wait3A_520 : memref<1x16x128xf32, #tpu.memory_space<hbm>> -> memref<16x128xf32, #tpu.memory_space<hbm>>
        %dma_wait3A_522 = arith.constant 9984 : i32
        %dma_wait3A_523 = arith.constant 0 : i32
        %dma_wait3A_524 = tpu.memref_slice %arg14[%dma_wait3A_522, %dma_wait3A_523] : memref<10000x128xf32, #tpu.memory_space<vmem_shared>> -> memref<16x128xf32, #tpu.memory_space<vmem_shared>>
        tpu.wait_dma2 semaphore(%run_scoped3A_510 : memref<!tpu.dma_semaphore, #tpu.memory_space<semaphore_mem>>) src(%dma_wait3A_524 : memref<16x128xf32, #tpu.memory_space<vmem_shared>>) dst(%dma_wait3A_521 : memref<16x128xf32, #tpu.memory_space<hbm>>)
        tpu.yield
      }) : () -> ()
    } else {
    }
    %add3A_456 = arith.constant 0 : i32
    %add3A_457 = arith.addi %mul3A_0, %add3A_456 : i32
    %add3A_458 = arith.constant 0 : i32
    %add3A_459 = arith.addi %mul3A_0, %add3A_458 : i32
    %dma_wait3A_460 = arith.constant 0 : i32
    %dma_wait3A_461 = tpu.memref_slice %arg4[%arg0, %add3A_459, %dma_wait3A_460] : memref<2x10000x128xf32, #tpu.memory_space<hbm>> -> memref<1x104x128xf32, #tpu.memory_space<hbm>>
    %dma_wait3A_462 = tpu.memref_squeeze %dma_wait3A_461 : memref<1x104x128xf32, #tpu.memory_space<hbm>> -> memref<104x128xf32, #tpu.memory_space<hbm>>
    %dma_wait3A_463 = arith.constant 0 : i32
    %dma_wait3A_464 = tpu.memref_slice %arg14[%add3A_457, %dma_wait3A_463] : memref<10000x128xf32, #tpu.memory_space<vmem_shared>> -> memref<104x128xf32, #tpu.memory_space<vmem_shared>>
    tpu.wait_dma2 semaphore(%arg15 : memref<!tpu.dma_semaphore, #tpu.memory_space<semaphore_mem>>) src(%dma_wait3A_464 : memref<104x128xf32, #tpu.memory_space<vmem_shared>>) dst(%dma_wait3A_462 : memref<104x128xf32, #tpu.memory_space<hbm>>)
    %add3A_465 = arith.constant 104 : i32
    %add3A_466 = arith.addi %mul3A_0, %add3A_465 : i32
    %add3A_467 = arith.constant 104 : i32
    %add3A_468 = arith.addi %mul3A_0, %add3A_467 : i32
    %dma_wait3A_469 = arith.constant 0 : i32
    %dma_wait3A_470 = tpu.memref_slice %arg4[%arg0, %add3A_468, %dma_wait3A_469] : memref<2x10000x128xf32, #tpu.memory_space<hbm>> -> memref<1x104x128xf32, #tpu.memory_space<hbm>>
    %dma_wait3A_471 = tpu.memref_squeeze %dma_wait3A_470 : memref<1x104x128xf32, #tpu.memory_space<hbm>> -> memref<104x128xf32, #tpu.memory_space<hbm>>
    %dma_wait3A_472 = arith.constant 0 : i32
    %dma_wait3A_473 = tpu.memref_slice %arg14[%add3A_466, %dma_wait3A_472] : memref<10000x128xf32, #tpu.memory_space<vmem_shared>> -> memref<104x128xf32, #tpu.memory_space<vmem_shared>>
    tpu.wait_dma2 semaphore(%arg15 : memref<!tpu.dma_semaphore, #tpu.memory_space<semaphore_mem>>) src(%dma_wait3A_473 : memref<104x128xf32, #tpu.memory_space<vmem_shared>>) dst(%dma_wait3A_471 : memref<104x128xf32, #tpu.memory_space<hbm>>)
    %add3A_474 = arith.constant 208 : i32
    %add3A_475 = arith.addi %mul3A_0, %add3A_474 : i32
    %add3A_476 = arith.constant 208 : i32
    %add3A_477 = arith.addi %mul3A_0, %add3A_476 : i32
    %dma_wait3A_478 = arith.constant 0 : i32
    %dma_wait3A_479 = tpu.memref_slice %arg4[%arg0, %add3A_477, %dma_wait3A_478] : memref<2x10000x128xf32, #tpu.memory_space<hbm>> -> memref<1x104x128xf32, #tpu.memory_space<hbm>>
    %dma_wait3A_480 = tpu.memref_squeeze %dma_wait3A_479 : memref<1x104x128xf32, #tpu.memory_space<hbm>> -> memref<104x128xf32, #tpu.memory_space<hbm>>
    %dma_wait3A_481 = arith.constant 0 : i32
    %dma_wait3A_482 = tpu.memref_slice %arg14[%add3A_475, %dma_wait3A_481] : memref<10000x128xf32, #tpu.memory_space<vmem_shared>> -> memref<104x128xf32, #tpu.memory_space<vmem_shared>>
    tpu.wait_dma2 semaphore(%arg15 : memref<!tpu.dma_semaphore, #tpu.memory_space<semaphore_mem>>) src(%dma_wait3A_482 : memref<104x128xf32, #tpu.memory_space<vmem_shared>>) dst(%dma_wait3A_480 : memref<104x128xf32, #tpu.memory_space<hbm>>)
    %add3A_483 = arith.constant 312 : i32
    %add3A_484 = arith.addi %mul3A_0, %add3A_483 : i32
    %add3A_485 = arith.constant 312 : i32
    %add3A_486 = arith.addi %mul3A_0, %add3A_485 : i32
    %dma_wait3A_487 = arith.constant 0 : i32
    %dma_wait3A_488 = tpu.memref_slice %arg4[%arg0, %add3A_486, %dma_wait3A_487] : memref<2x10000x128xf32, #tpu.memory_space<hbm>> -> memref<1x104x128xf32, #tpu.memory_space<hbm>>
    %dma_wait3A_489 = tpu.memref_squeeze %dma_wait3A_488 : memref<1x104x128xf32, #tpu.memory_space<hbm>> -> memref<104x128xf32, #tpu.memory_space<hbm>>
    %dma_wait3A_490 = arith.constant 0 : i32
    %dma_wait3A_491 = tpu.memref_slice %arg14[%add3A_484, %dma_wait3A_490] : memref<10000x128xf32, #tpu.memory_space<vmem_shared>> -> memref<104x128xf32, #tpu.memory_space<vmem_shared>>
    tpu.wait_dma2 semaphore(%arg15 : memref<!tpu.dma_semaphore, #tpu.memory_space<semaphore_mem>>) src(%dma_wait3A_491 : memref<104x128xf32, #tpu.memory_space<vmem_shared>>) dst(%dma_wait3A_489 : memref<104x128xf32, #tpu.memory_space<hbm>>)
    %add3A_492 = arith.constant 416 : i32
    %add3A_493 = arith.addi %mul3A_0, %add3A_492 : i32
    %add3A_494 = arith.constant 416 : i32
    %add3A_495 = arith.addi %mul3A_0, %add3A_494 : i32
    %dma_wait3A_496 = arith.constant 0 : i32
    %dma_wait3A_497 = tpu.memref_slice %arg4[%arg0, %add3A_495, %dma_wait3A_496] : memref<2x10000x128xf32, #tpu.memory_space<hbm>> -> memref<1x104x128xf32, #tpu.memory_space<hbm>>
    %dma_wait3A_498 = tpu.memref_squeeze %dma_wait3A_497 : memref<1x104x128xf32, #tpu.memory_space<hbm>> -> memref<104x128xf32, #tpu.memory_space<hbm>>
    %dma_wait3A_499 = arith.constant 0 : i32
    %dma_wait3A_500 = tpu.memref_slice %arg14[%add3A_493, %dma_wait3A_499] : memref<10000x128xf32, #tpu.memory_space<vmem_shared>> -> memref<104x128xf32, #tpu.memory_space<vmem_shared>>
    tpu.wait_dma2 semaphore(%arg15 : memref<!tpu.dma_semaphore, #tpu.memory_space<semaphore_mem>>) src(%dma_wait3A_500 : memref<104x128xf32, #tpu.memory_space<vmem_shared>>) dst(%dma_wait3A_498 : memref<104x128xf32, #tpu.memory_space<hbm>>)
    %add3A_501 = arith.constant 520 : i32
    %add3A_502 = arith.addi %mul3A_0, %add3A_501 : i32
    %add3A_503 = arith.constant 520 : i32
    %add3A_504 = arith.addi %mul3A_0, %add3A_503 : i32
    %dma_wait3A_505 = arith.constant 0 : i32
    %dma_wait3A_506 = tpu.memref_slice %arg4[%arg0, %add3A_504, %dma_wait3A_505] : memref<2x10000x128xf32, #tpu.memory_space<hbm>> -> memref<1x104x128xf32, #tpu.memory_space<hbm>>
    %dma_wait3A_507 = tpu.memref_squeeze %dma_wait3A_506 : memref<1x104x128xf32, #tpu.memory_space<hbm>> -> memref<104x128xf32, #tpu.memory_space<hbm>>
    %dma_wait3A_508 = arith.constant 0 : i32
    %dma_wait3A_509 = tpu.memref_slice %arg14[%add3A_502, %dma_wait3A_508] : memref<10000x128xf32, #tpu.memory_space<vmem_shared>> -> memref<104x128xf32, #tpu.memory_space<vmem_shared>>
    tpu.wait_dma2 semaphore(%arg15 : memref<!tpu.dma_semaphore, #tpu.memory_space<semaphore_mem>>) src(%dma_wait3A_509 : memref<104x128xf32, #tpu.memory_space<vmem_shared>>) dst(%dma_wait3A_507 : memref<104x128xf32, #tpu.memory_space<hbm>>)
    return
  }
}

module attributes {stable_mosaic.version = 14 : i64} {
  func.func @body(%arg0: memref<2x10000x128xf32, #tpu.memory_space<vmem>>, %arg1: memref<10000x128xf32, #tpu.memory_space<vmem>>, %arg2: memref<128x128xf32, #tpu.memory_space<vmem>>, %arg3: memref<10000xi32, #tpu.memory_space<vmem>>, %arg4: memref<10000x128xf32, #tpu.memory_space<vmem>>) attributes {dimension_semantics = [], scalar_prefetch = 0 : i64, scratch_operands = 0 : i64, tpu.core_type = #tpu.core_type<tc>} {
    %get3A = arith.constant 0 : index
    %get3A_0 = arith.constant 0 : index
    %get3A_1 = arith.constant 0 : index
    %get3A_2 = vector.load %arg0[%get3A, %get3A_0, %get3A_1] : memref<2x10000x128xf32, #tpu.memory_space<vmem>>, vector<1x10000x128xf32>
    %get3A_3 = vector.shape_cast %get3A_2 : vector<1x10000x128xf32> to vector<10000x128xf32>
    %get3A_4 = arith.constant 1 : index
    %get3A_5 = arith.constant 0 : index
    %get3A_6 = arith.constant 0 : index
    %get3A_7 = vector.load %arg0[%get3A_4, %get3A_5, %get3A_6] : memref<2x10000x128xf32, #tpu.memory_space<vmem>>, vector<1x10000x128xf32>
    %get3A_8 = vector.shape_cast %get3A_7 : vector<1x10000x128xf32> to vector<10000x128xf32>
    %add3A = arith.addf %get3A_3, %get3A_8 : vector<10000x128xf32>
    %get3A_9 = arith.constant 0 : index
    %get3A_10 = arith.constant 0 : index
    %get3A_11 = vector.load %arg1[%get3A_9, %get3A_10] : memref<10000x128xf32, #tpu.memory_space<vmem>>, vector<10000x128xf32>
    %add3A_12 = arith.addf %add3A, %get3A_11 : vector<10000x128xf32>
    %get3A_13 = arith.constant 0 : index
    %get3A_14 = arith.constant 0 : index
    %get3A_15 = vector.load %arg2[%get3A_13, %get3A_14] : memref<128x128xf32, #tpu.memory_space<vmem>>, vector<128x128xf32>
    %dot_general3A = arith.constant dense<0.000000e+00> : vector<10000x128xf32>
    %dot_general3A_16 = tpu.matmul %add3A_12, %get3A_15, %dot_general3A {dimension_numbers = #tpu.dot_dimension_numbers<[1], [0], [0], [1], [0, 0, 1, 1], [], []>, transpose_lhs_hint = false} : vector<10000x128xf32>, vector<128x128xf32>, vector<10000x128xf32> -> vector<10000x128xf32>
    %max3A = arith.constant 0.000000e+00 : f32
    %max3A_17 = vector.broadcast %max3A : f32 to vector<10000x128xf32>
    %max3A_18 = arith.maximumf %dot_general3A_16, %max3A_17 : vector<10000x128xf32>
    %iota3A = tpu.iota {dimensions = array<i32: 1>} : vector<1x8xi32>
    %get3A_19 = arith.constant 0 : index
    %get3A_20 = vector.load %arg3[%get3A_19] : memref<10000xi32, #tpu.memory_space<vmem>>, vector<10000xi32>
    %reshape3A = vector.shape_cast %get3A_20 : vector<10000xi32> to vector<10000x1xi32>
    %eq3A = vector.broadcast %reshape3A : vector<10000x1xi32> to vector<10000x8xi32>
    %eq3A_21 = vector.broadcast %iota3A : vector<1x8xi32> to vector<10000x8xi32>
    %eq3A_22 = arith.cmpi eq, %eq3A, %eq3A_21 : vector<10000x8xi32>
    %convert_element_type3A = arith.extui %eq3A_22 : vector<10000x8xi1> to vector<10000x8xi32>
    %convert_element_type3A_23 = arith.sitofp %convert_element_type3A : vector<10000x8xi32> to vector<10000x8xf32>
    %dot_general3A_24 = arith.constant dense<0.000000e+00> : vector<8x128xf32>
    %dot_general3A_25 = tpu.matmul %convert_element_type3A_23, %max3A_18, %dot_general3A_24 {dimension_numbers = #tpu.dot_dimension_numbers<[0], [0], [1], [1], [0, 1, 1, 1], [], []>, transpose_lhs_hint = false} : vector<10000x8xf32>, vector<10000x128xf32>, vector<8x128xf32> -> vector<8x128xf32>
    %reduce_sum3A = arith.constant dense<0.000000e+00> : vector<8xf32>
    %reduce_sum3A_26 = vector.multi_reduction <add>, %convert_element_type3A_23, %reduce_sum3A [0] : vector<10000x8xf32> to vector<8xf32>
    %broadcast_in_dim3A = vector.shape_cast %reduce_sum3A_26 : vector<8xf32> to vector<8x1xf32>
    %max3A_27 = arith.constant 1.000000e+00 : f32
    %max3A_28 = vector.broadcast %max3A_27 : f32 to vector<8x1xf32>
    %max3A_29 = arith.maximumf %broadcast_in_dim3A, %max3A_28 : vector<8x1xf32>
    %div3A = vector.broadcast %max3A_29 : vector<8x1xf32> to vector<8x128xf32>
    %div3A_30 = arith.divf %dot_general3A_25, %div3A : vector<8x128xf32>
    %dot_general3A_31 = arith.constant dense<0.000000e+00> : vector<10000x128xf32>
    %dot_general3A_32 = tpu.matmul %convert_element_type3A_23, %div3A_30, %dot_general3A_31 {dimension_numbers = #tpu.dot_dimension_numbers<[1], [0], [0], [1], [0, 0, 1, 1], [], []>, transpose_lhs_hint = false} : vector<10000x8xf32>, vector<8x128xf32>, vector<10000x128xf32> -> vector<10000x128xf32>
    %add3A_33 = arith.addf %max3A_18, %dot_general3A_32 : vector<10000x128xf32>
    %swap3A = arith.constant 0 : index
    %swap3A_34 = arith.constant 0 : index
    %swap3A_35 = vector.load %arg4[%swap3A, %swap3A_34] : memref<10000x128xf32, #tpu.memory_space<vmem>>, vector<10000x128xf32>
    tpu.vector_store %arg4[%swap3A, %swap3A_34], %add3A_33 {strides = array<i32>} : memref<10000x128xf32, #tpu.memory_space<vmem>>, vector<10000x128xf32>,
    return
  }
}

</mosaic_0001>

<sc_bundles>
// kernel: kernel.4.cloned.1.call-start
scs
__scs_entry_jumppad:
0x0: {  	(pc) =	sbr.rel $0x88, $3  }
0x1: {  	(tag) =	ssettag $0x0;
	lr =	simm.s32 $0x1  }
0x2: {  	[smem:$0x3F9D] =	sst lr;
	_ =	strace $0xD0000000  }
0x3: {  	_ = 	snop  }
0x4: {  	_ = 	snop  }
0x5: {  	_ = 	snop  }
0x6: {  	_ = 	snop  }
0x7: {  	_ = 	snop  }
__scs_overlays_trampoline_lowered:
0x8: {  	[smem:$0x3FAC] =	sst s0  }
0x9: {  	[smem:$0x3FAD] =	sst s1  }
0xa: {  	[smem:$0x3FAE] =	sst s2  }
0xb: {  	[smem:$0x3FAF] =	sst s3  }
0xc: {  	[smem:$0x3FB0] =	sst s4  }
0xd: {  	[smem:$0x3FB1] =	sst s5  }
0xe: {  	[smem:$0x3FB2] =	sst s6  }
0xf: {  	[smem:$0x3FB3] =	sst s7  }
0x10: {  	[smem:$0x3FB4] =	sst s8  }
0x11: {  	[smem:$0x3FB5] =	sst s9;
	s0 =	simm.s32 @!p0 $0x0  }
0x12: {  	s1 =	sld [smem:$0x3F9B];
	s0 =	simm.s32 @p0 $0x1  }
0x13: {  	[smem:$0x3FB6] =	sst s0;
	s0 =	simm.s32 @!p1 $0x0  }
0x14: {  	s2 =	sld [smem:$0x3F9A];
	s0 =	simm.s32 @p1 $0x1  }
0x15: {  	[smem:$0x3FB7] =	sst s0;
	s0 =	simm.s32 @!p2 $0x0  }
0x16: {  	s3 =	sld [smem:$0x3FDB];
	s0 =	simm.s32 @p2 $0x1  }
0x17: {  	s4 =	simm.s32 $0x1BF5;
	[smem:$0x3FB9] =	sst s0  }
0x18: {  	s0 =	sld [smem:$0x3F9C];
	_ =	swait.ge [sflag:s4], $0x0  }
0x19: {  	s7 =	sld [smem:$0x3F9D]  }
0x1a: {  	s8 =	sadd.s32 $0xFFFFE003, lr  }
0x1b: {  	s9 =	sadd.s32 $0xFFFFFEF7, lr;
	s5 =	simm.s32 $0xFFFFFFFF;
	p2 =	slt.u32 s8, $0xFFFFF086  }
0x1c: {  	p1 =	slt.u32 s9, $0xF7A;
	s5 =	simm.s32 @!p2 $0x0  }
0x1d: {  	s5 =	simm.s32 @p1 $0x1;
	p0 =	seq.s32 s7, s2  }
0x1e: {  	s7 =	smul.u32 @!p0 $0xF7A, s2;
	p2 =	seq.s32 @!p0 s5, $0x0  }
0x1f: {  	s9 =	smul.u32 $0xF7A, s1;
	s8 =	simm.s32 @!p0 $0x1BF5;
	p2 =	por !p2, p0  }
0x20: {  	[sflag:s8] =	ssyncset.s32 @!p0 $0xFFFFF086;
	s6 =	sadd.s32 @!p0 s3, s7;
	s7 =	simm.s32 @!p0 $0x108  }
0x21: {  	s3 =	sadd.s32 s3, s9;
	s6 =	sadd.s32 @!p0 $0x88, s6;
	s7 =	simm.s32 @p2 $0x1082  }
0x22: {  	[simem:s7], [sflag:s8] =	dma.local @!p0 [hbm:s6], $0xF7A  }
0x23: {  	s9 =	sor.u32 $0xD0000000, s2;
	s6 =	simm.s32 $0x108;
	_ =	swait.ge @!p0 [sflag:s8], $0x0  }
0x24: {  	s3 =	sadd.s32 $0x88, s3;
	s6 =	simm.s32 @!p1 $0x1082;
	[sflag:s4] =	ssyncset.s32 $0xFFFFF086  }
0x25: {  	[simem:s6], [sflag:s4] =	dma.local [hbm:s3], $0xF7A  }
0x26: {  	[smem:$0x3F9D] =	sst s1;
	(tag) =	ssettag s2;
	_ =	strace s9  }
0x27: {  	s1 =	sld [smem:$0x3FAD]  }
0x28: {  	s2 =	sld [smem:$0x3FAE]  }
0x29: {  	s4 =	sld [smem:$0x3FB0]  }
0x2a: {  	p0 =	seq.s32 s5, $0x0;
	s5 =	sld [smem:$0x3FB1]  }
0x2b: {  	s6 =	sld [smem:$0x3FB2]  }
0x2c: {  	s7 =	sld [smem:$0x3FB3]  }
0x2d: {  	s3 =	simm.s32 $0x108;
	s8 =	sld [smem:$0x3FB4]  }
0x2e: {  	s3 =	simm.s32 @!p0 $0x1082;
	s9 =	sld [smem:$0x3FB5]  }
0x2f: {  	lr =	sadd.s32 s0, s3;
	s0 =	sld [smem:$0x3FAC]  }
0x30: {  	s3 =	sld [smem:$0x3FAF]  }
0x31: {  	[smem:$0x3FB8] =	sst s10  }
0x32: {  	s10 =	sld [smem:$0x3FB6];
	_ =	sdelay $0x3  }
0x33: {  	p0 =	seq.s32 s10, $0x1;
	s10 =	sld [smem:$0x3FB8];
	_ =	sdelay $0x3  }
0x34: {  	[smem:$0x3FB8] =	sst s10  }
0x35: {  	s10 =	sld [smem:$0x3FB7];
	_ =	sdelay $0x3  }
0x36: {  	p1 =	seq.s32 s10, $0x1;
	s10 =	sld [smem:$0x3FB8];
	_ =	sdelay $0x3  }
0x37: {  	[smem:$0x3FB8] =	sst s10  }
0x38: {  	s10 =	sld [smem:$0x3FB9]  }
0x39: {  	_ = 	snop;
	(pc) =	sbr.ind lr, $3  }
0x3a: {  	_ = 	snop  }
0x3b: {  	_ = 	snop  }
0x3c: {  	p2 =	seq.s32 s10, $0x1;
	s10 =	sld [smem:$0x3FB8]  }
0x3d: {  	_ =	shalt  }
0x3e: {  	_ =	shalt  }
0x3f: {  	_ =	shalt  }
0x40: {  	_ =	shalt  }
0x41: {  	_ =	shalt  }
0x42: {  	_ =	shalt  }
0x43: {  	_ =	shalt  }
0x44: {  	_ =	shalt  }
0x45: {  	_ =	shalt  }
0x46: {  	_ =	shalt  }
0x47: {  	_ =	shalt  }
0x48: {  	_ =	shalt  }
0x49: {  	_ =	shalt  }
0x4a: {  	_ =	shalt  }
0x4b: {  	_ =	shalt  }
0x4c: {  	_ =	shalt  }
0x4d: {  	_ =	shalt  }
0x4e: {  	_ =	shalt  }
0x4f: {  	_ =	shalt  }
0x50: {  	_ =	shalt  }
0x51: {  	_ =	shalt  }
0x52: {  	_ =	shalt  }
0x53: {  	_ =	shalt  }
0x54: {  	_ =	shalt  }
0x55: {  	_ =	shalt  }
0x56: {  	_ =	shalt  }
0x57: {  	_ =	shalt  }
0x58: {  	_ =	shalt  }
0x59: {  	_ =	shalt  }
0x5a: {  	_ =	shalt  }
0x5b: {  	_ =	shalt  }
0x5c: {  	_ =	shalt  }
0x5d: {  	_ =	shalt  }
0x5e: {  	_ =	shalt  }
0x5f: {  	_ =	shalt  }
0x60: {  	_ =	shalt  }
0x61: {  	_ =	shalt  }
0x62: {  	_ =	shalt  }
0x63: {  	_ =	shalt  }
0x64: {  	_ =	shalt  }
0x65: {  	_ =	shalt  }
0x66: {  	_ =	shalt  }
0x67: {  	_ =	shalt  }
0x68: {  	_ =	shalt  }
0x69: {  	_ =	shalt  }
0x6a: {  	_ =	shalt  }
0x6b: {  	_ =	shalt  }
0x6c: {  	_ =	shalt  }
0x6d: {  	_ =	shalt  }
0x6e: {  	_ =	shalt  }
0x6f: {  	_ =	shalt  }
0x70: {  	_ =	shalt  }
0x71: {  	_ =	shalt  }
0x72: {  	_ =	shalt  }
0x73: {  	_ =	shalt  }
0x74: {  	_ =	shalt  }
0x75: {  	_ =	shalt  }
0x76: {  	_ =	shalt  }
0x77: {  	_ =	shalt  }
0x78: {  	_ =	shalt  }
0x79: {  	_ =	shalt  }
0x7a: {  	_ =	shalt  }
0x7b: {  	_ =	shalt  }
0x7c: {  	_ =	shalt  }
0x7d: {  	_ =	shalt  }
0x7e: {  	_ =	shalt  }
0x7f: {  	_ =	shalt  }
0x80: {  	_ =	shalt  }
0x81: {  	_ =	shalt  }
0x82: {  	_ =	shalt  }
0x83: {  	_ =	shalt  }
0x84: {  	_ =	shalt  }
0x85: {  	_ =	shalt  }
0x86: {  	_ =	shalt  }
0x87: {  	_ =	shalt  }
.Lfunc_end0:
.L_simem_size_0:
called_computation_lowered:
.L_overlay_start_0:
0x88: {  	s2 =	sld [smem:$0x3FD9]  }
0x89: {  	s3 =	sld [smem:$0x3FFE];
	_ =	sdelay $0x1  }
0x8a: {  	s1 =	srdreg.scid  }
0x8b: {  	s0 =	sand.u32 $0x1, s1  }
0x8c: {  	s17 =	sshll.u32 s0, $0xA;
	s2 =	sadd.s32 s3, s2  }
0x8d: {  	s2 =	sadd.s32 s2, s17  }
0x8e: {  	[smem:$0x3FC4] =	sst s2  }
0x8f: {  	_ = 	snop  }
0x90: {  	s2 =	sld [smem:$0x3FC9]  }
0x91: {  	s18 =	sld [smem:$0x3FC8];
	(tm) =	ssettm $0x1  }
0x92: {  	s4 =	sld [smem:$0x3FFB];
	_ =	sdelay $0x3  }
0x93: {  	_ =	strace s4  }
0x94: {  	s4 =	sld [smem:$0x3FFC];
	_ =	sdelay $0x3  }
0x95: {  	_ =	strace s4  }
0x96: {  	s4 =	sld [smem:$0x3FFD];
	_ =	sdelay $0x3  }
0x97: {  	_ =	strace s4  }
0x98: {  	_ =	strace $0x8FFFFFFF  }
0x99: {  	s19 =	sld [smem:$0x3FDB];
	_ =	sdelay $0x1  }
0x9a: {  	s5 =	simm.s32 $_scs_section_size  }
0x9b: {  	s6 =	simm.s32 $_size__tile_overlayer_lowered;
	s7 =	simm.s32 $_tile_overlayer_lowered  }
0x9c: {  	s22 =	simm.s32 $0x1BFF;
	s21 =	sshll.u32 s7, $0x1;
	s4 =	sadd.s32 s5, s19  }
0x9d: {  	s8 =	simm.s32 $0x0;
	s20 =	sshll.u32 s6, $0x1;
	s6 =	sadd.s32 s21, s4  }
0x9e: {  	[timem:s8], [sflag:s22] =	dma.local [hbm:s6], s20  }
0x9f: {  	_ =	swait.ge [sflag:s22], s20  }
0xa0: {  	s5 =	ssub.s32 $0x0, s20;
	[sflag:s22] =	ssyncset.done $0x0  }
0xa1: {  	[sflag:s22] =	ssyncadd.s32 s5;
	_ =	sdelay $0x1  }
0xa2: {  	s23 =	simm.s32 $0x1B8B  }
0xa3: {  	_ =	swait.ge [sflag:s23], $0x1  }
0xa4: {  	[sflag:s23] =	ssyncset.done $0x0  }
0xa5: {  	s25 =	simm.s32 $0x1B8E;
	s24 =	sld [smem:$0x3FFE];
	[sflag:s23] =	ssyncadd.s32 $0xFFFFFFFF  }
0xa6: {  	s26 =	simm.s32 $execute0_lowered;
	[smem:$0x3FD2] =	sst s25  }
0xa7: {  	s6 =	sshll.u32 s26, $0x1;
	_ =	strace $0x80000046;
	[dreg:$0x1] =	wrdreg $0xFFFFFFFF  }
0xa8: {  	s28 =	simm.s32 $_size_execute0_lowered;
	s4 =	sadd.s32 s4, s6;
	[dreg:$0x0] =	wrdreg $0x0  }
0xa9: {  	s6 =	sshll.u32 s28, $0x1;
	[dreg:$0x2] =	wrdreg s4  }
0xaa: {  	[dreg:$0x3] =	wrdreg s6  }
0xab: {  	[dreg:$0x4] =	wrdreg $0xC0  }
0xac: {  	_ =	task [dreg:s8], $0x5FFFF  }
0xad: {  	[dreg:$0x1] =	wrdreg $0xFFFFFFFF  }
0xae: {  	[dreg:$0x0] =	wrdreg $0x60  }
0xaf: {  	[dreg:$0x2] =	wrdreg s2  }
0xb0: {  	[dreg:$0x3] =	wrdreg s18  }
0xb1: {  	[dreg:$0x4] =	wrdreg s24  }
0xb2: {  	[dreg:$0x5] =	wrdreg $0xC3000  }
0xb3: {  	[dreg:$0x6] =	wrdreg $0x9  }
0xb4: {  	_ =	task.clear_ibuf [dreg:s8], $0x7FFFF;
	_ =	strace $0x90000046  }
0xb5: {  	s29 =	simm.s32 $0x9;
	_ =	strace $0x80000048  }
0xb6: {  	_ =	swait.ge [sflag:s29], $0x1  }
0xb7: {  	[sflag:s29] =	ssyncadd.s32 $0xFFFFFFFF  }
0xb8: {  	_ =	strace $0x90000048  }
0xb9: {  	_ =	sfence  }
0xba: {  	s30 =	sld [smem:$0x0];
	_ =	sdelay $0x2  }
0xbb: {  	s31 =	sshll.u32 s1, $0xD;
	s1 =	sshrl.u32 s1, $0x2  }
0xbc: {  	s3 =	sand.u32 $0x4000, s31;
	s1 =	sadd.s32 s1, s30  }
0xbd: {  	s0 =	sor.u32 s3, s0;
	s1 =	sshll.u32 s1, $0x11  }
0xbe: {  	s0 =	sor.u32 s1, s0  }
0xbf: {  	s0 =	sadd.s32 $0x8F2B, s0  }
0xc0: {  	[sflag:s0] =	ssyncadd.remote.s32 $0x1  }
0xc1: {  	_ =	sfence.sel $0xFFFF  }
0xc2: {  	[dreg:$0x0] =	wrdreg $0xFFFFFFFF;
	(pc) =	sbr.abs _section_cstart, $3  }
0xc3: {  	[dreg:$0x1] =	wrdreg $0xFFFFFFFF  }
0xc4: {  	_ =	task.clear_ibuf [dreg:s8], $0x2FFFF;
	_ =	strace $0x9FFFFFFF  }
0xc5: {  	(tm) =	ssettm $0x7FFFFFFF  }
tec
execute0_lowered:
.L_overlay_start_1:
0x0: {  	(tag) =	ssettag $0x1  }
0x1: {  	s0 =	rddreg [dreg:$0x0]  }
0x2: {  	s1 =	rddreg [dreg:$0x1]  }
0x3: {  	s5 =	rddreg [dreg:$0x2]  }
0x4: {  	s2 =	srdreg.scid;
	s3 =	rddreg [dreg:$0x3]  }
0x5: {  	s18 =	stileid.u32;
	s4 =	simm.s32 $0x0;
	s29 =	simm.s32 $0x7  }
0x6: {  	s30 =	simm.s32 $0xA;
	s31 =	simm.s32 $0x4;
	s6 =	sand.u32 $0x1, s2  }
0x7: {  	[smem:$0x7FF] =	sst s4;
	s8 =	smul.u32 $0x13800, s18;
	s5 =	sadd.s32 $0xC00, s5  }
0x8: {  	s16 =	sshll.u32 s18, $0x5;
	s21 =	smul.u32 $0x2700, s18;
	p0 =	sne.s32 s18, $0xF  }
0x9: {  	p1 =	sgt.u32 s18, $0x1;
	s2 =	sshll.u32 s6, $0x4;
	_ =	strace $0x80000047  }
0xa: {  	s7 =	ssub.s32 $0x2, s6;
	s12 =	smul.u32 $0x138800, s6;
	s15 =	sshll.u32 s6, $0x6  }
0xb: {  	s6 =	smul.u32 $0x27000, s6;
	s2 =	sor.u32 s18, s2;
	s9 =	sshrl.u32 s7, $0x1  }
0xc: {  	s11 =	sadd.s32 $0x9C00, s8;
	s13 =	sadd.s32 $0xD000, s8;
	s2 =	smul.u32 $0x4E00, s2  }
0xd: {  	s14 =	sadd.s32 $0x10400, s8;
	s15 =	sadd.s32 s16, s15;
	s22 =	sadd.s32 s12, s13  }
0xe: {  	s23 =	sadd.s32 s12, s14;
	s6 =	sadd.s32 s21, s6;
	s10 =	sshrl.u32 s2, $0x3  }
0xf: {  	s2 =	ssub.s32 s7, s9;
	s7 =	sadd.s32 $0x3400, s8;
	s9 =	sadd.s32 $0x6800, s8  }
0x10: {  	s8 =	sadd.s32 s8, s12;
	s19 =	sadd.s32 s1, s10;
	s17 =	sadd.s32 s12, s7  }
0x11: {  	s8 =	sshrl.u32 s8, $0x3;
	s16 =	sadd.s32 s12, s9;
	s28 =	sadd.s32 s7, s3  }
0x12: {  	s7 =	simm.s32 $0x3;
	s25 =	sshrl.u32 s17, $0x3;
	[dreg:$0x8] =	wrdreg s19  }
0x13: {  	s8 =	sadd.s32 s5, s8;
	s17 =	sadd.s32 s12, s11;
	[dreg:$0x13] =	wrdreg s28  }
0x14: {  	s12 =	sshrl.u32 s12, $0x3;
	s21 =	sadd.s32 $0x20, s19;
	[dreg:$0x9] =	wrdreg s8  }
0x15: {  	s26 =	sadd.s32 s5, s25;
	s8 =	sshrl.u32 s16, $0x3;
	s20 =	sshrl.u32 s17, $0x3  }
0x16: {  	s17 =	sshrl.u32 s23, $0x3;
	s25 =	sadd.s32 $0x400, s6;
	[dreg:$0xf] =	wrdreg s21  }
0x17: {  	s16 =	sadd.s32 $0x380, s6;
	[dreg:$0xa] =	wrdreg s26;
	s8 =	sadd.s32 s5, s8  }
0x18: {  	s24 =	sadd.s32 s5, s17;
	s26 =	sshrl.u32 s16, $0x2;
	[dreg:$0xb] =	wrdreg s8  }
0x19: {  	s17 =	smul.u32 $0x4E000, s18;
	s18 =	sadd.s32 $0x60, s19;
	[dreg:$0xe] =	wrdreg s24  }
0x1a: {  	s16 =	sadd.s32 $0x300, s6;
	s8 =	sadd.s32 s5, s20;
	[dreg:$0x1f] =	wrdreg s18  }
0x1b: {  	s20 =	sshrl.u32 s16, $0x2;
	s24 =	sadd.s32 $0x40, s19;
	[dreg:$0xc] =	wrdreg s8  }
0x1c: {  	s16 =	sadd.s32 $0x138000, s3;
	s8 =	sshrl.u32 s22, $0x3;
	[dreg:$0x10] =	wrdreg s24  }
0x1d: {  	s22 =	sadd.s32 s15, s1;
	s15 =	sadd.s32 $0x30, s19;
	[dreg:$0x1d] =	wrdreg s16  }
0x1e: {  	s23 =	sshrl.u32 s17, $0x2;
	s17 =	sadd.s32 $0x50, s19;
	[dreg:$0x1c] =	wrdreg s15  }
0x1f: {  	s6 =	sadd.s32 $0x280, s6;
	s24 =	sadd.s32 $0x90, s19;
	[dreg:$0x1e] =	wrdreg s17  }
0x20: {  	s6 =	sshrl.u32 s6, $0x2;
	s8 =	sadd.s32 s5, s8;
	[smem:$0x7FB] =	sst s24  }
0x21: {  	s5 =	sadd.s32 s5, s12;
	s12 =	sadd.s32 s26, s1;
	[dreg:$0xd] =	wrdreg s8  }
0x22: {  	s16 =	simm.s32 $0x0;
	s26 =	sadd.s32 s9, s3;
	[dreg:$0x6] =	wrdreg s12  }
0x23: {  	s9 =	sadd.s32 s13, s3;
	s24 =	simm.s32 $0x6;
	[dreg:$0x14] =	wrdreg s26  }
0x24: {  	s15 =	simm.s32 $0xC;
	[dreg:$0x16] =	wrdreg s9;
	s12 =	sadd.s32 $0x13810, s22  }
0x25: {  	s8 =	sshrl.u32 s25, $0x2;
	s13 =	sadd.s32 $0x27000, s5;
	[dreg:$0x19] =	wrdreg s12  }
0x26: {  	s26 =	sadd.s32 $0x9B0, s19;
	s9 =	simm.s32 $0x80;
	[dreg:$0x1a] =	wrdreg s13  }
0x27: {  	s5 =	simm.s32 $0x9;
	s8 =	sadd.s32 s8, s1;
	[smem:$0x7FD] =	sst s26  }
0x28: {  	s12 =	simm.s32 $0x180;
	[dreg:$0x5] =	wrdreg s8;
	s8 =	sadd.s32 s20, s1  }
0x29: {  	s20 =	sadd.s32 s23, s3;
	s23 =	sadd.s32 $0x80, s19;
	[dreg:$0x7] =	wrdreg s8  }
0x2a: {  	s13 =	simm.s32 $0x200;
	s1 =	sadd.s32 $0x10, s1;
	[smem:$0x7FA] =	sst s23  }
0x2b: {  	s26 =	simm.s32 $0x1;
	s25 =	sadd.s32 s10, s1;
	[dreg:$0x12] =	wrdreg s20  }
0x2c: {  	s8 =	sadd.s32 s11, s3;
	s10 =	sadd.s32 s14, s3;
	[dreg:$0x11] =	wrdreg s25  }
0x2d: {  	s21 =	sadd.s32 s6, s1;
	s11 =	sadd.s32 $0x13800, s22;
	[dreg:$0x15] =	wrdreg s8  }
0x2e: {  	s14 =	smax.u32 s2, $0x1;
	s22 =	sadd.s32 $0x70, s19;
	[dreg:$0x17] =	wrdreg s10  }
0x2f: {  	s23 =	simm.s32 $0x8300;
	s1 =	simm.s32 $0x2;
	[dreg:$0x18] =	wrdreg s11  }
0x30: {  	s2 =	simm.s32 $0x8;
	s6 =	simm.s32 $0xB;
	[dreg:$0x1b] =	wrdreg s14  }
0x31: {  	[smem:$0x7F9] =	sst s22;
	s25 =	sadd.s32 $0xA0, s19;
	s8 =	simm.s32 $0xD  }
0x32: {  	s10 =	simm.s32 $0x300;
	s11 =	simm.s32 $0x100;
	s14 =	simm.s32 $0x5  }
0x33: {  	v0 =	vimm.f32 $0.0e+00;
	s22 =	simm.s32 $0x4300;
	[smem:$0x7FC] =	sst s25;
	s25 =	simm.s32 $0x280  }
.LBB2_1:
0x34: {  	s17 =	rddreg [dreg:$0x8]  }
0x35: {  	[tilespmem:s4], [sflag:$0xD] =	stream.linear.gather [hbm4b:s17+s4], $0x80, $0x38;
	[tilespmem:$0x1FB80] =	vst v63  }
0x36: {  	_ =	swait.ge [sflag:s8], $0x80  }
0x37: {  	[sflag:s8] =	ssyncset.done $0x0  }
0x38: {  	[sflag:s8] =	ssyncadd.s32 $0xFFFFFF80  }
0x39: {  	[tilespmem:s10], [sflag:$0x1] =	stream.indirect.gather [hbm4b:s0+s9], $0x80, s4, s9, $0xb8;
	[tilespmem:$0x1FB80] =	vst v63  }
0x3a: {  	s18 =	rddreg [dreg:$0xf]  }
0x3b: {  	[tilespmem:s9], [sflag:$0x5] =	stream.linear.gather [hbm4b:s18+s4], $0x80, $0x38;
	[tilespmem:$0x1FB80] =	vst v63  }
0x3c: {  	s19 =	rddreg [dreg:$0x10]  }
0x3d: {  	[tilespmem:s11], [sflag:$0x6] =	stream.linear.gather [hbm4b:s19+s4], $0x80, $0x38;
	[tilespmem:$0x1FB80] =	vst v63  }
0x3e: {  	s18 =	rddreg [dreg:$0x11]  }
0x3f: {  	[tilespmem:s12], [sflag:$0x7] =	stream.linear.gather [hbm4b:s18+s4], $0x80, $0x38;
	[tilespmem:$0x1FB80] =	vst v63  }
0x40: {  	s19 =	rddreg [dreg:$0x1c]  }
0x41: {  	[tilespmem:s13], [sflag:$0x8] =	stream.linear.gather [hbm4b:s19+s4], $0x80, $0x38;
	[tilespmem:$0x1FB80] =	vst v63  }
0x42: {  	_ =	swait.ge [sflag:s14], $0x80  }
0x43: {  	[sflag:s14] =	ssyncset.done $0x0  }
0x44: {  	s17 =	simm.s32 $0x0;
	s18 =	simm.s32 $0x200;
	[sflag:s14] =	ssyncadd.s32 $0xFFFFFF80  }
0x45: {  	[tilespmem:s22], [sflag:$0x2] =	stream.indirect.gather [hbm4b:s0+s9], $0x80, s9, s9, $0xb8;
	[tilespmem:$0x1FB80] =	vst v63  }
.LBB2_2:
0x46: {  	p2 =	sne.s32 s18, $0xCE00;
	[tilespmem:s17+$0x8370] =	vst v0  }
0x47: {  	[tilespmem:s17+$0x8300] =	vst v0  }
0x48: {  	[tilespmem:s17+$0x8310] =	vst v0  }
.Ltmp0:
0x49: {  	[tilespmem:s17+$0x8320] =	vst v0;
	(pc) =	sbr.rel @p2 .LBB2_2-.Ltmp0, $4  }
0x4a: {  	[tilespmem:s17+$0x8330] =	vst v0  }
0x4b: {  	[tilespmem:s17+$0x8340] =	vst v0  }
0x4c: {  	[tilespmem:s17+$0x8350] =	vst v0  }
0x4d: {  	[tilespmem:s17+$0x8360] =	vst v0;
	s17 =	sshra.s32 s18, $0x2;
	s18 =	sadd.s32 $0x200, s18  }
0x4e: {  	[tilespmem:s17+$0x8370] =	vst v0  }
0x4f: {  	[tilespmem:s17+$0x8300] =	vst v0  }
0x50: {  	[tilespmem:s17+$0x8310] =	vst v0  }
0x51: {  	[tilespmem:s17+$0x8320] =	vst v0  }
0x52: {  	[tilespmem:s17+$0x8330] =	vst v0  }
0x53: {  	[tilespmem:s17+$0x8340] =	vst v0  }
0x54: {  	[tilespmem:s17+$0x8350] =	vst v0  }
0x55: {  	[tilespmem:s17+$0x8360] =	vst v0  }
0x56: {  	[spmem:s20] =	stream.linear.scatter [tilespmem:s23], [sflag:$0xD], $0x3400, $0x38;
	[tilespmem:$0x1FB80] =	vst v63  }
0x57: {  	_ =	swait.ge [sflag:s8], $0x3400  }
0x58: {  	[sflag:s8] =	ssyncset.done $0x0  }
0x59: {  	[sflag:s8] =	ssyncadd.s32 $0xFFFFCC00  }
0x5a: {  	[spmem:s28] =	stream.linear.scatter [tilespmem:s23], [sflag:$0xD], $0x3400, $0x38;
	[tilespmem:$0x1FB80] =	vst v63  }
0x5b: {  	_ =	swait.ge [sflag:s8], $0x3400  }
0x5c: {  	[sflag:s8] =	ssyncset.done $0x0  }
0x5d: {  	s19 =	rddreg [dreg:$0x14];
	[sflag:s8] =	ssyncadd.s32 $0xFFFFCC00  }
0x5e: {  	[spmem:s19] =	stream.linear.scatter [tilespmem:s23], [sflag:$0xD], $0x3400, $0x38;
	[tilespmem:$0x1FB80] =	vst v63  }
0x5f: {  	_ =	swait.ge [sflag:s8], $0x3400  }
0x60: {  	[sflag:s8] =	ssyncset.done $0x0  }
0x61: {  	s20 =	rddreg [dreg:$0x15];
	[sflag:s8] =	ssyncadd.s32 $0xFFFFCC00  }
0x62: {  	[spmem:s20] =	stream.linear.scatter [tilespmem:s23], [sflag:$0xD], $0x3400, $0x38;
	[tilespmem:$0x1FB80] =	vst v63  }
0x63: {  	_ =	swait.ge [sflag:s8], $0x3400  }
0x64: {  	[sflag:s8] =	ssyncset.done $0x0  }
0x65: {  	s28 =	rddreg [dreg:$0x16];
	[sflag:s8] =	ssyncadd.s32 $0xFFFFCC00  }
0x66: {  	[spmem:s28] =	stream.linear.scatter [tilespmem:s23], [sflag:$0xD], $0x3400, $0x38;
	[tilespmem:$0x1FB80] =	vst v63  }
0x67: {  	_ =	swait.ge [sflag:s8], $0x3400  }
0x68: {  	[sflag:s8] =	ssyncset.done $0x0  }
0x69: {  	s18 =	rddreg [dreg:$0x17];
	[sflag:s8] =	ssyncadd.s32 $0xFFFFCC00  }
0x6a: {  	[spmem:s18] =	stream.linear.scatter [tilespmem:s23], [sflag:$0xD], $0x3400, $0x38;
	[tilespmem:$0x1FB80] =	vst v63  }
0x6b: {  	_ =	swait.ge [sflag:s8], $0x3400  }
0x6c: {  	[sflag:s8] =	ssyncset.done $0x0  }
0x6d: {  	s17 =	simm.s32 @!p0 $0x8300;
	s18 =	rddreg [dreg:$0x1d];
	[sflag:s8] =	ssyncadd.s32 $0xFFFFCC00  }
0x6e: {  	[spmem:s18] =	stream.linear.scatter @!p0 [tilespmem:s17], [sflag:$0xD], $0x800, $0x38;
	[tilespmem:$0x1FB80] =	vst v63  }
0x6f: {  	s17 =	simm.s32 @!p0 $0xD  }
0x70: {  	_ =	swait.ge @!p0 [sflag:s17], $0x800  }
0x71: {  	[sflag:s17] =	ssyncset.done @!p0 $0x0  }
0x72: {  	[sflag:s17] =	ssyncadd.s32 @!p0 $0xFFFFF800  }
0x73: {  	[bflag:$0x0] =	sbarrier.arrive $0xFFFF  }
0x74: {  	_ =	swait.ge [sflag:s24], $0x80  }
0x75: {  	[sflag:s24] =	ssyncset.done $0x0  }
0x76: {  	[sflag:s24] =	ssyncadd.s32 $0xFFFFFF80  }
0x77: {  	[tilespmem:s23], [sflag:$0x3] =	stream.indirect.gather [hbm4b:s0+s9], $0x80, s11, s9, $0xb8;
	[tilespmem:$0x1FB80] =	vst v63  }
0x78: {  	s17 =	simm.s32 $0x0;
	s19 =	rddreg [dreg:$0x1e]  }
0x79: {  	[tilespmem:s25], [sflag:$0x9] =	stream.linear.gather [hbm4b:s19+s17], $0x80, $0x38;
	[tilespmem:$0x1FB80] =	vst v63  }
0x7a: {  	_ =	swait.ge [sflag:s26], $0x4000  }
0x7b: {  	[sflag:s26] =	ssyncset.done $0x0  }
0x7c: {  	[sflag:s26] =	ssyncadd.s32 $0xFFFFC000  }
0x7d: {  	_ =	swait.ge [sflag:s29], $0x80  }
0x7e: {  	[sflag:s29] =	ssyncset.done $0x0  }
0x7f: {  	[sflag:s29] =	ssyncadd.s32 $0xFFFFFF80  }
0x80: {  	[spmem:s3] =	stream.indirect.scatter.add.f32 [tilespmem:s10], [sflag:$0xA], $0x80, s12, s9, $0xb8;
	[tilespmem:$0x1FB80] =	vst v63  }
0x81: {  	s20 =	rddreg [dreg:$0x1f]  }
0x82: {  	[tilespmem:s17], [sflag:$0x4] =	stream.linear.gather [hbm4b:s20+s17], $0x80, $0x38;
	[tilespmem:$0x1FB80] =	vst v63  }
0x83: {  	_ =	swait.ge [sflag:s30], $0x4000  }
0x84: {  	[sflag:s30] =	ssyncset.done $0x0  }
0x85: {  	[sflag:s30] =	ssyncadd.s32 $0xFFFFC000  }
0x86: {  	_ =	swait.ge [sflag:s31], $0x80  }
0x87: {  	[sflag:s31] =	ssyncset.done $0x0  }
0x88: {  	s28 =	sld [smem:$0x7F9];
	[sflag:s31] =	ssyncadd.s32 $0xFFFFFF80  }
0x89: {  	[tilespmem:s10], [sflag:$0x1] =	stream.indirect.gather [hbm4b:s0+s9], $0x80, s17, s9, $0xb8;
	[tilespmem:$0x1FB80] =	vst v63  }
0x8a: {  	_ = 	snop  }
0x8b: {  	[tilespmem:s12], [sflag:$0x7] =	stream.linear.gather [hbm4b:s28+s17], $0x80, $0x38;
	[tilespmem:$0x1FB80] =	vst v63  }
0x8c: {  	_ =	swait.ge [sflag:s1], $0x4000  }
0x8d: {  	[sflag:s1] =	ssyncset.done $0x0  }
0x8e: {  	[sflag:s1] =	ssyncadd.s32 $0xFFFFC000  }
0x8f: {  	_ =	swait.ge [sflag:s2], $0x80  }
0x90: {  	[sflag:s2] =	ssyncset.done $0x0  }
0x91: {  	s19 =	sld [smem:$0x7FA];
	[sflag:s2] =	ssyncadd.s32 $0xFFFFFF80  }
0x92: {  	[spmem:s3] =	stream.indirect.scatter.add.f32 [tilespmem:s22], [sflag:$0xB], $0x80, s13, s9, $0xb8;
	[tilespmem:$0x1FB80] =	vst v63  }
0x93: {  	_ = 	snop  }
0x94: {  	[tilespmem:s9], [sflag:$0x5] =	stream.linear.gather [hbm4b:s19+s17], $0x80, $0x38;
	[tilespmem:$0x1FB80] =	vst v63  }
0x95: {  	_ =	swait.ge [sflag:s6], $0x4000  }
0x96: {  	[sflag:s6] =	ssyncset.done $0x0  }
0x97: {  	[sflag:s6] =	ssyncadd.s32 $0xFFFFC000  }
0x98: {  	_ =	swait.ge [sflag:s14], $0x80  }
0x99: {  	[sflag:s14] =	ssyncset.done $0x0  }
0x9a: {  	s20 =	sld [smem:$0x7FB];
	[sflag:s14] =	ssyncadd.s32 $0xFFFFFF80  }
0x9b: {  	[tilespmem:s22], [sflag:$0x2] =	stream.indirect.gather [hbm4b:s0+s9], $0x80, s9, s9, $0xb8;
	[tilespmem:$0x1FB80] =	vst v63  }
0x9c: {  	_ = 	snop  }
0x9d: {  	[tilespmem:s13], [sflag:$0x8] =	stream.linear.gather [hbm4b:s20+s17], $0x80, $0x38;
	[tilespmem:$0x1FB80] =	vst v63  }
0x9e: {  	_ =	swait.ge [sflag:s7], $0x4000  }
0x9f: {  	[sflag:s7] =	ssyncset.done $0x0  }
0xa0: {  	[sflag:s7] =	ssyncadd.s32 $0xFFFFC000  }
0xa1: {  	_ =	swait.ge [sflag:s5], $0x80  }
0xa2: {  	[sflag:s5] =	ssyncset.done $0x0  }
0xa3: {  	s28 =	sld [smem:$0x7FC];
	[sflag:s5] =	ssyncadd.s32 $0xFFFFFF80  }
0xa4: {  	[spmem:s3] =	stream.indirect.scatter.add.f32 [tilespmem:s23], [sflag:$0xC], $0x80, s25, s9, $0xb8;
	[tilespmem:$0x1FB80] =	vst v63  }
0xa5: {  	_ = 	snop  }
0xa6: {  	[tilespmem:s11], [sflag:$0x6] =	stream.linear.gather [hbm4b:s28+s17], $0x80, $0x38;
	[tilespmem:$0x1FB80] =	vst v63  }
0xa7: {  	_ =	swait.ge [sflag:s15], $0x4000  }
0xa8: {  	[sflag:s15] =	ssyncset.done $0x0  }
0xa9: {  	[sflag:s15] =	ssyncadd.s32 $0xFFFFC000  }
0xaa: {  	_ =	swait.ge [sflag:s24], $0x80  }
0xab: {  	[sflag:s24] =	ssyncset.done $0x0  }
0xac: {  	[sflag:s24] =	ssyncadd.s32 $0xFFFFFF80  }
0xad: {  	[tilespmem:s23], [sflag:$0x3] =	stream.indirect.gather [hbm4b:s0+s9], $0x80, s11, s9, $0xb8;
	[tilespmem:$0x1FB80] =	vst v63  }
0xae: {  	s18 =	sadd.s32 $0x0, s21  }
0xaf: {  	[tilespmem:s25], [sflag:$0x9] =	stream.linear.gather [hbm4b:s18+s4], $0x80, $0x38;
	[tilespmem:$0x1FB80] =	vst v63  }
0xb0: {  	_ =	swait.ge [sflag:s26], $0x4000  }
0xb1: {  	[sflag:s26] =	ssyncset.done $0x0  }
0xb2: {  	[sflag:s26] =	ssyncadd.s32 $0xFFFFC000  }
0xb3: {  	_ =	swait.ge [sflag:s29], $0x80  }
0xb4: {  	[sflag:s29] =	ssyncset.done $0x0  }
0xb5: {  	s19 =	rddreg [dreg:$0x7];
	[sflag:s29] =	ssyncadd.s32 $0xFFFFFF80  }
0xb6: {  	[spmem:s3] =	stream.indirect.scatter.add.f32 [tilespmem:s10], [sflag:$0xA], $0x80, s12, s9, $0xb8;
	[tilespmem:$0x1FB80] =	vst v63  }
0xb7: {  	s17 =	sadd.s32 $0x0, s19  }
0xb8: {  	[tilespmem:s4], [sflag:$0x4] =	stream.linear.gather [hbm4b:s17+s4], $0x80, $0x38;
	[tilespmem:$0x1FB80] =	vst v63  }
0xb9: {  	_ =	swait.ge [sflag:s30], $0x4000  }
0xba: {  	[sflag:s30] =	ssyncset.done $0x0  }
0xbb: {  	[sflag:s30] =	ssyncadd.s32 $0xFFFFC000  }
0xbc: {  	_ =	swait.ge [sflag:s31], $0x80  }
0xbd: {  	[sflag:s31] =	ssyncset.done $0x0  }
0xbe: {  	[sflag:s31] =	ssyncadd.s32 $0xFFFFFF80  }
0xbf: {  	[tilespmem:s10], [sflag:$0x1] =	stream.indirect.gather [hbm4b:s0+s9], $0x80, s4, s9, $0xb8;
	[tilespmem:$0x1FB80] =	vst v63  }
0xc0: {  	s17 =	sadd.s32 $0x10, s17  }
0xc1: {  	[tilespmem:s12], [sflag:$0x7] =	stream.linear.gather [hbm4b:s17+s4], $0x80, $0x38;
	[tilespmem:$0x1FB80] =	vst v63  }
0xc2: {  	_ =	swait.ge [sflag:s1], $0x4000  }
0xc3: {  	[sflag:s1] =	ssyncset.done $0x0  }
0xc4: {  	[sflag:s1] =	ssyncadd.s32 $0xFFFFC000  }
0xc5: {  	_ =	swait.ge [sflag:s2], $0x80  }
0xc6: {  	[sflag:s2] =	ssyncset.done $0x0  }
0xc7: {  	s20 =	rddreg [dreg:$0x6];
	[sflag:s2] =	ssyncadd.s32 $0xFFFFFF80  }
0xc8: {  	[spmem:s3] =	stream.indirect.scatter.add.f32 [tilespmem:s22], [sflag:$0xB], $0x80, s13, s9, $0xb8;
	[tilespmem:$0x1FB80] =	vst v63  }
0xc9: {  	s17 =	sadd.s32 $0x0, s20  }
0xca: {  	[tilespmem:s9], [sflag:$0x5] =	stream.linear.gather [hbm4b:s17+s4], $0x80, $0x38;
	[tilespmem:$0x1FB80] =	vst v63  }
0xcb: {  	_ =	swait.ge [sflag:s6], $0x4000  }
0xcc: {  	[sflag:s6] =	ssyncset.done $0x0  }
0xcd: {  	[sflag:s6] =	ssyncadd.s32 $0xFFFFC000  }
0xce: {  	_ =	swait.ge [sflag:s14], $0x80  }
0xcf: {  	[sflag:s14] =	ssyncset.done $0x0  }
0xd0: {  	[sflag:s14] =	ssyncadd.s32 $0xFFFFFF80  }
0xd1: {  	[tilespmem:s22], [sflag:$0x2] =	stream.indirect.gather [hbm4b:s0+s9], $0x80, s9, s9, $0xb8;
	[tilespmem:$0x1FB80] =	vst v63  }
0xd2: {  	s17 =	sadd.s32 $0x10, s17  }
0xd3: {  	[tilespmem:s13], [sflag:$0x8] =	stream.linear.gather [hbm4b:s17+s4], $0x80, $0x38;
	[tilespmem:$0x1FB80] =	vst v63  }
0xd4: {  	_ =	swait.ge [sflag:s7], $0x4000  }
0xd5: {  	[sflag:s7] =	ssyncset.done $0x0  }
0xd6: {  	[sflag:s7] =	ssyncadd.s32 $0xFFFFC000  }
0xd7: {  	_ =	swait.ge [sflag:s5], $0x80  }
0xd8: {  	[sflag:s5] =	ssyncset.done $0x0;
	s28 =	rddreg [dreg:$0x5]  }
0xd9: {  	s17 =	simm.s32 $0x60;
	[sflag:s5] =	ssyncadd.s32 $0xFFFFFF80;
	s18 =	sadd.s32 $0x0, s28  }
0xda: {  	[spmem:s3] =	stream.indirect.scatter.add.f32 [tilespmem:s23], [sflag:$0xC], $0x80, s25, s9, $0xb8;
	[tilespmem:$0x1FB80] =	vst v63  }
.LBB2_4:
0xdb: {  	[tilespmem:s11], [sflag:$0x6] =	stream.linear.gather [hbm4b:s18+s4], $0x80, $0x38;
	[tilespmem:$0x1FB80] =	vst v63  }
0xdc: {  	_ =	swait.ge [sflag:s15], $0x4000  }
0xdd: {  	[sflag:s15] =	ssyncset.done $0x0  }
0xde: {  	[sflag:s15] =	ssyncadd.s32 $0xFFFFC000  }
0xdf: {  	_ =	swait.ge [sflag:s24], $0x80  }
0xe0: {  	[sflag:s24] =	ssyncset.done $0x0  }
0xe1: {  	s18 =	smov.u32 s17;
	[sflag:s24] =	ssyncadd.s32 $0xFFFFFF80  }
0xe2: {  	[tilespmem:s23], [sflag:$0x3] =	stream.indirect.gather [hbm4b:s0+s9], $0x80, s11, s9, $0xb8;
	[tilespmem:$0x1FB80] =	vst v63  }
0xe3: {  	s19 =	sadd.s32 s18, s21  }
0xe4: {  	[tilespmem:s25], [sflag:$0x9] =	stream.linear.gather [hbm4b:s19+s4], $0x80, $0x38;
	[tilespmem:$0x1FB80] =	vst v63  }
0xe5: {  	_ =	swait.ge [sflag:s26], $0x4000  }
0xe6: {  	[sflag:s26] =	ssyncset.done $0x0  }
0xe7: {  	[sflag:s26] =	ssyncadd.s32 $0xFFFFC000  }
0xe8: {  	_ =	swait.ge [sflag:s29], $0x80  }
0xe9: {  	[sflag:s29] =	ssyncset.done $0x0  }
0xea: {  	s28 =	rddreg [dreg:$0x7];
	[sflag:s29] =	ssyncadd.s32 $0xFFFFFF80  }
0xeb: {  	[spmem:s3] =	stream.indirect.scatter.add.f32 [tilespmem:s10], [sflag:$0xA], $0x80, s12, s9, $0xb8;
	[tilespmem:$0x1FB80] =	vst v63  }
0xec: {  	s19 =	sadd.s32 s18, s28  }
0xed: {  	[tilespmem:s4], [sflag:$0x4] =	stream.linear.gather [hbm4b:s19+s4], $0x80, $0x38;
	[tilespmem:$0x1FB80] =	vst v63  }
0xee: {  	_ =	swait.ge [sflag:s30], $0x4000  }
0xef: {  	[sflag:s30] =	ssyncset.done $0x0  }
0xf0: {  	[sflag:s30] =	ssyncadd.s32 $0xFFFFC000  }
0xf1: {  	_ =	swait.ge [sflag:s31], $0x80  }
0xf2: {  	[sflag:s31] =	ssyncset.done $0x0  }
0xf3: {  	[sflag:s31] =	ssyncadd.s32 $0xFFFFFF80  }
0xf4: {  	[tilespmem:s10], [sflag:$0x1] =	stream.indirect.gather [hbm4b:s0+s9], $0x80, s4, s9, $0xb8;
	[tilespmem:$0x1FB80] =	vst v63  }
0xf5: {  	s19 =	sadd.s32 $0x10, s19  }
0xf6: {  	[tilespmem:s12], [sflag:$0x7] =	stream.linear.gather [hbm4b:s19+s4], $0x80, $0x38;
	[tilespmem:$0x1FB80] =	vst v63  }
0xf7: {  	_ =	swait.ge [sflag:s1], $0x4000  }
0xf8: {  	[sflag:s1] =	ssyncset.done $0x0  }
0xf9: {  	[sflag:s1] =	ssyncadd.s32 $0xFFFFC000  }
0xfa: {  	_ =	swait.ge [sflag:s2], $0x80  }
0xfb: {  	[sflag:s2] =	ssyncset.done $0x0  }
0xfc: {  	s20 =	rddreg [dreg:$0x6];
	[sflag:s2] =	ssyncadd.s32 $0xFFFFFF80  }
0xfd: {  	[spmem:s3] =	stream.indirect.scatter.add.f32 [tilespmem:s22], [sflag:$0xB], $0x80, s13, s9, $0xb8;
	[tilespmem:$0x1FB80] =	vst v63  }
0xfe: {  	s19 =	sadd.s32 s18, s20  }
0xff: {  	[tilespmem:s9], [sflag:$0x5] =	stream.linear.gather [hbm4b:s19+s4], $0x80, $0x38;
	[tilespmem:$0x1FB80] =	vst v63  }
0x100: {  	_ =	swait.ge [sflag:s6], $0x4000  }
0x101: {  	[sflag:s6] =	ssyncset.done $0x0  }
0x102: {  	[sflag:s6] =	ssyncadd.s32 $0xFFFFC000  }
0x103: {  	_ =	swait.ge [sflag:s14], $0x80  }
0x104: {  	[sflag:s14] =	ssyncset.done $0x0  }
0x105: {  	[sflag:s14] =	ssyncadd.s32 $0xFFFFFF80  }
0x106: {  	[tilespmem:s22], [sflag:$0x2] =	stream.indirect.gather [hbm4b:s0+s9], $0x80, s9, s9, $0xb8;
	[tilespmem:$0x1FB80] =	vst v63  }
0x107: {  	s19 =	sadd.s32 $0x10, s19  }
0x108: {  	[tilespmem:s13], [sflag:$0x8] =	stream.linear.gather [hbm4b:s19+s4], $0x80, $0x38;
	[tilespmem:$0x1FB80] =	vst v63  }
0x109: {  	_ =	swait.ge [sflag:s7], $0x4000  }
0x10a: {  	p2 =	sne.s32 s17, $0x8A0;
	[sflag:s7] =	ssyncset.done $0x0  }
.Ltmp1:
0x10b: {  	[sflag:s7] =	ssyncadd.s32 $0xFFFFC000;
	(pc) =	sbr.rel @p2 .LBB2_4-.Ltmp1, $4  }
0x10c: {  	_ =	swait.ge [sflag:s5], $0x80  }
0x10d: {  	[sflag:s5] =	ssyncset.done $0x0;
	s28 =	rddreg [dreg:$0x5]  }
0x10e: {  	s17 =	sadd.s32 $0x60, s17;
	[sflag:s5] =	ssyncadd.s32 $0xFFFFFF80;
	s18 =	sadd.s32 s18, s28  }
0x10f: {  	[spmem:s3] =	stream.indirect.scatter.add.f32 [tilespmem:s23], [sflag:$0xC], $0x80, s25, s9, $0xb8;
	[tilespmem:$0x1FB80] =	vst v63  }
0x110: {  	[tilespmem:s11], [sflag:$0x6] =	stream.linear.gather [hbm4b:s18+s4], $0x80, $0x38;
	[tilespmem:$0x1FB80] =	vst v63  }
0x111: {  	_ =	swait.ge [sflag:s15], $0x4000  }
0x112: {  	[sflag:s15] =	ssyncset.done $0x0  }
0x113: {  	[sflag:s15] =	ssyncadd.s32 $0xFFFFC000  }
0x114: {  	_ =	swait.ge [sflag:s24], $0x80  }
0x115: {  	[sflag:s24] =	ssyncset.done $0x0  }
0x116: {  	s17 =	sld [smem:$0x7FD];
	[sflag:s24] =	ssyncadd.s32 $0xFFFFFF80  }
0x117: {  	[tilespmem:s23], [sflag:$0x3] =	stream.indirect.gather [hbm4b:s0+s9], $0x80, s11, s9, $0xb8;
	[tilespmem:$0x1FB80] =	vst v63  }
0x118: {  	_ = 	snop  }
0x119: {  	[tilespmem:s25], [sflag:$0x9] =	stream.linear.gather [hbm4b:s17+s4], $0x80, $0x38;
	[tilespmem:$0x1FB80] =	vst v63  }
0x11a: {  	_ =	swait.ge [sflag:s26], $0x4000  }
0x11b: {  	[sflag:s26] =	ssyncset.done $0x0  }
0x11c: {  	[sflag:s26] =	ssyncadd.s32 $0xFFFFC000  }
0x11d: {  	_ =	swait.ge [sflag:s29], $0x80  }
0x11e: {  	[sflag:s29] =	ssyncset.done $0x0  }
0x11f: {  	[sflag:s29] =	ssyncadd.s32 $0xFFFFFF80  }
0x120: {  	[spmem:s3] =	stream.indirect.scatter.add.f32 [tilespmem:s10], [sflag:$0xA], $0x80, s12, s9, $0xb8;
	[tilespmem:$0x1FB80] =	vst v63  }
0x121: {  	_ =	swait.ge [sflag:s30], $0x4000  }
0x122: {  	[sflag:s30] =	ssyncset.done $0x0  }
0x123: {  	[sflag:s30] =	ssyncadd.s32 $0xFFFFC000  }
0x124: {  	_ =	swait.ge [sflag:s1], $0x4000  }
0x125: {  	[sflag:s1] =	ssyncset.done $0x0  }
0x126: {  	[sflag:s1] =	ssyncadd.s32 $0xFFFFC000  }
0x127: {  	_ =	swait.ge [sflag:s2], $0x80  }
0x128: {  	[sflag:s2] =	ssyncset.done $0x0  }
0x129: {  	[sflag:s2] =	ssyncadd.s32 $0xFFFFFF80  }
0x12a: {  	[spmem:s3] =	stream.indirect.scatter.add.f32 [tilespmem:s22], [sflag:$0xB], $0x80, s13, s9, $0xb8;
	[tilespmem:$0x1FB80] =	vst v63  }
0x12b: {  	_ =	swait.ge [sflag:s6], $0x4000  }
0x12c: {  	[sflag:s6] =	ssyncset.done $0x0  }
0x12d: {  	[sflag:s6] =	ssyncadd.s32 $0xFFFFC000  }
0x12e: {  	_ =	swait.ge [sflag:s7], $0x4000  }
0x12f: {  	[sflag:s7] =	ssyncset.done $0x0  }
0x130: {  	[sflag:s7] =	ssyncadd.s32 $0xFFFFC000  }
0x131: {  	_ =	swait.ge [sflag:s5], $0x80  }
0x132: {  	[sflag:s5] =	ssyncset.done $0x0  }
0x133: {  	[sflag:s5] =	ssyncadd.s32 $0xFFFFFF80  }
0x134: {  	[spmem:s3] =	stream.indirect.scatter.add.f32 [tilespmem:s23], [sflag:$0xC], $0x80, s25, s9, $0xb8;
	[tilespmem:$0x1FB80] =	vst v63  }
0x135: {  	_ =	swait.ge [sflag:s15], $0x4000  }
0x136: {  	[sflag:s15] =	ssyncset.done $0x0  }
0x137: {  	s17 =	simm.s32 @!p1 $0x0;
	s18 =	rddreg [dreg:$0x18];
	[sflag:s15] =	ssyncadd.s32 $0xFFFFC000  }
0x138: {  	[tilespmem:s17], [sflag:$0xD] =	stream.linear.gather @!p1 [hbm4b:s18+s17], $0x80, $0x38;
	[tilespmem:$0x1FB80] =	vst v63  }
0x139: {  	s18 =	simm.s32 @!p1 $0xD  }
0x13a: {  	_ =	swait.ge @!p1 [sflag:s18], $0x80  }
0x13b: {  	[sflag:s18] =	ssyncset.done @!p1 $0x0  }
0x13c: {  	s19 =	simm.s32 @!p1 $0x180;
	s20 =	rddreg [dreg:$0x19];
	[sflag:s18] =	ssyncadd.s32 @!p1 $0xFFFFFF80  }
0x13d: {  	[tilespmem:s19], [sflag:$0xD] =	stream.linear.gather @!p1 [hbm4b:s20+s17], $0x80, $0x38;
	[tilespmem:$0x1FB80] =	vst v63  }
0x13e: {  	_ =	swait.ge @!p1 [sflag:s18], $0x80  }
0x13f: {  	[sflag:s18] =	ssyncset.done @!p1 $0x0  }
0x140: {  	s28 =	simm.s32 @!p1 $0x300;
	s20 =	simm.s32 @!p1 $0x80;
	[sflag:s18] =	ssyncadd.s32 @!p1 $0xFFFFFF80  }
0x141: {  	[tilespmem:s28], [sflag:$0x1] =	stream.indirect.gather @!p1 [hbm4b:s0+s20], $0x80, s17, s20, $0xb8;
	[tilespmem:$0x1FB80] =	vst v63  }
0x142: {  	s17 =	simm.s32 @!p1 $0x1  }
0x143: {  	_ =	swait.ge @!p1 [sflag:s17], $0x4000  }
0x144: {  	[sflag:s17] =	ssyncset.done @!p1 $0x0  }
0x145: {  	[sflag:s17] =	ssyncadd.s32 @!p1 $0xFFFFC000  }
0x146: {  	[spmem:s3] =	stream.indirect.scatter.add.f32 @!p1 [tilespmem:s28], [sflag:$0xD], $0x80, s19, s20, $0xb8;
	[tilespmem:$0x1FB80] =	vst v63  }
0x147: {  	_ =	swait.ge @!p1 [sflag:s18], $0x4000  }
0x148: {  	[sflag:s18] =	ssyncset.done @!p1 $0x0  }
0x149: {  	[sflag:s18] =	ssyncadd.s32 @!p1 $0xFFFFC000  }
0x14a: {  	s18 =	stileid.u32;
	[bflag:$0x0] =	sbarrier.arrive $0xFFFF  }
0x14b: {  	s17 =	sshll.u32 s18, $0x6;
	s20 =	rddreg [dreg:$0x12]  }
0x14c: {  	s17 =	sor.u32 $0x1C01, s17;
	s19 =	rddreg [dreg:$0x9];
	s18 =	sshrl.u32 s20, $0x3  }
0x14d: {  	[hbm:s19], [sflag:s17] =	dma.local [spmem:s18], $0x680  }
0x14e: {  	s28 =	rddreg [dreg:$0x13]  }
0x14f: {  	s19 =	rddreg [dreg:$0xa];
	s18 =	sshrl.u32 s28, $0x3  }
0x150: {  	[hbm:s19], [sflag:s17] =	dma.local [spmem:s18], $0x680  }
0x151: {  	s18 =	rddreg [dreg:$0x14]  }
0x152: {  	s19 =	rddreg [dreg:$0xb];
	s18 =	sshrl.u32 s18, $0x3  }
0x153: {  	[hbm:s19], [sflag:s17] =	dma.local [spmem:s18], $0x680  }
0x154: {  	s18 =	rddreg [dreg:$0x15]  }
0x155: {  	s19 =	rddreg [dreg:$0xc];
	s18 =	sshrl.u32 s18, $0x3  }
0x156: {  	[hbm:s19], [sflag:s17] =	dma.local [spmem:s18], $0x680  }
0x157: {  	s18 =	rddreg [dreg:$0x16]  }
0x158: {  	s19 =	rddreg [dreg:$0xd];
	s18 =	sshrl.u32 s18, $0x3  }
0x159: {  	[hbm:s19], [sflag:s17] =	dma.local [spmem:s18], $0x680  }
0x15a: {  	s18 =	rddreg [dreg:$0x17]  }
0x15b: {  	s19 =	rddreg [dreg:$0xe];
	s18 =	sshrl.u32 s18, $0x3  }
0x15c: {  	[hbm:s19], [sflag:s17] =	dma.local [spmem:s18], $0x680  }
0x15d: {  	s17 =	rddreg [dreg:$0x1d]  }
0x15e: {  	s18 =	simm.s32 @!p0 $0x1FCD;
	s19 =	rddreg [dreg:$0x1a];
	s17 =	sshrl.u32 @!p0 s17, $0x3  }
0x15f: {  	[hbm:s19], [sflag:s18] =	dma.local @!p0 [spmem:s17], $0x100  }
0x160: {  	s17 =	simm.s32 @!p0 $0xD  }
0x161: {  	_ =	swait.ge @!p0 [sflag:s17], $0x100  }
0x162: {  	[sflag:s17] =	ssyncset.done @!p0 $0x0  }
0x163: {  	[sflag:s17] =	ssyncadd.s32 @!p0 $0xFFFFFF00  }
0x164: {  	_ =	swait.ge [sflag:s26], $0x680  }
0x165: {  	[sflag:s26] =	ssyncset.done $0x0  }
0x166: {  	[sflag:s26] =	ssyncadd.s32 $0xFFFFF980  }
0x167: {  	_ =	swait.ge [sflag:s26], $0x680  }
0x168: {  	[sflag:s26] =	ssyncset.done $0x0  }
0x169: {  	[sflag:s26] =	ssyncadd.s32 $0xFFFFF980  }
0x16a: {  	_ =	swait.ge [sflag:s26], $0x680  }
0x16b: {  	[sflag:s26] =	ssyncset.done $0x0  }
0x16c: {  	[sflag:s26] =	ssyncadd.s32 $0xFFFFF980  }
0x16d: {  	_ =	swait.ge [sflag:s26], $0x680  }
0x16e: {  	[sflag:s26] =	ssyncset.done $0x0  }
0x16f: {  	[sflag:s26] =	ssyncadd.s32 $0xFFFFF980  }
0x170: {  	_ =	swait.ge [sflag:s26], $0x680  }
0x171: {  	[sflag:s26] =	ssyncset.done $0x0  }
0x172: {  	[sflag:s26] =	ssyncadd.s32 $0xFFFFF980  }
0x173: {  	_ =	swait.ge [sflag:s26], $0x680  }
0x174: {  	s16 =	sadd.s32 $0x1, s16;
	s19 =	rddreg [dreg:$0x1b]  }
0x175: {  	p2 =	sne.s32 s16, s19  }
.Ltmp2:
0x176: {  	_ = 	snop;
	(pc) =	sbr.rel @p2 .LBB2_1-.Ltmp2, $3  }
0x177: {  	_ =	sdelay $0x1  }
0x178: {  	[sflag:s26] =	ssyncset.done $0x0  }
0x179: {  	[sflag:s26] =	ssyncadd.s32 $0xFFFFF980  }
0x17a: {  	_ =	sfence.sel $0x180000  }
0x17b: {  	[bflag:$0x0] =	sbarrier.arrive $0xFFFF  }
0x17c: {  	_ =	strace $0x90000047  }
0x17d: {  	s0 =	stileid.u32;
	[bflag:$0x2] =	sbarrier.arrive $0xFFFF  }
0x17e: {  	p0 =	sne.s32 s0, $0x0;
	s0 =	rddreg [dreg:$0x4]  }
0x17f: {  	s0 =	sadd.s32 @!p0 $0x100000, s0  }
0x180: {  	[sflag:s0] =	ssyncadd.tile.s32 @!p0 $0x1;
	_ =	shalt  }
.Lfunc_end2:
_tile_overlayer_lowered:
.L_overlay_start_2:
0x181: {  	(tag) =	ssettag $0x2  }
0x182: {  	s0 =	rddreg [dreg:$0x0];
	s2 =	stileid.u32  }
0x183: {  	s1 =	rddreg [dreg:$0x1];
	p0 =	sne.s32 s2, $0x0  }
0x184: {  	s3 =	rddreg [dreg:$0x2];
	[bflag:$0x3] =	sbarrier.arrive $0xFFFF;
	s2 =	simm.s32 @!p0 $0x1C0D  }
0x185: {  	[timem:s3], [sflag:s2] =	dma.local @!p0 [hbm:s0], s1  }
0x186: {  	s0 =	simm.s32 @!p0 $0xD  }
0x187: {  	_ =	swait.ge @!p0 [sflag:s0], s1  }
0x188: {  	s1 =	ssub.s32 @!p0 $0x0, s1;
	[sflag:s0] =	ssyncset.done @!p0 $0x0  }
0x189: {  	[sflag:s0] =	ssyncadd.s32 @!p0 s1  }
0x18a: {  	[bflag:$0x3] =	sbarrier.arrive $0xFFFF  }
0x18b: {  	_ =	shalt  }

</sc_bundles>
